<compile_context>
chip_gen: v7x
topology: tpu7x:2x2x1
jax: 0.10.2.dev20260603
libtpu: 0.0.44.dev20260713+nightly
codegen_flags: <defaults>
</compile_context>

<pallas_src>
import functools

import jax
import jax.numpy as jnp
from jax import lax
from jax.experimental import pallas as pl
from jax.experimental.pallas import tpu as pltpu
from jax.experimental.pallas import tpu_sc as plsc

N = 10000
E = 320000
D = 128
G = 64

NC = 2
NS = 16
NW = NC * NS
K = 80
NCHUNK = 125
EPAD = NW * NCHUNK * K
NACC = N + 8
UROW = 200
NU = N // UROW
NUIT = -(-NU // NS)


def _segsum_body(h_hbm, src_hbm, dst_hbm, zrow_hbm, p0_hbm, p1_hbm,
                 acc_sh, src0, src1, dst0, dst1, rows_v,
                 ssem0, ssem1, dsem0, dsem1, gsem):
    c = lax.axis_index("c")
    s = lax.axis_index("s")
    wid = c * NS + s
    srcs = (src0, src1)
    dsts = (dst0, dst1)
    ssems = (ssem0, ssem1)
    dsems = (dsem0, dsem1)

    del ssems, dsems

    def init_body(k, carry):
        u = s + k * NS

        @pl.when(u < NU)
        def _():
            r0 = pl.multiple_of(u * UROW, 8)
            pltpu.sync_copy(zrow_hbm.at[pl.ds(r0, UROW)],
                            acc_sh.at[pl.ds(r0, UROW)])

        return carry

    lax.fori_loop(0, NUIT, init_body, 0)
    plsc.subcore_barrier()

    base = wid * (NCHUNK * K)

    def body(ci, carry):
        off = pl.multiple_of(base + ci * K, 8)
        pltpu.sync_copy(src_hbm.at[pl.ds(off, K)], srcs[0])
        pltpu.sync_copy(dst_hbm.at[pl.ds(off, K)], dsts[0])
        pltpu.async_copy(h_hbm.at[srcs[0]], rows_v, gsem).wait()
        pltpu.sync_copy(rows_v, acc_sh.at[dsts[0]], add=True)
        return carry

    lax.fori_loop(0, NCHUNK, body, 0)
    plsc.subcore_barrier()

    def out_body(k, carry):
        u = s + k * NS

        @pl.when(u < NU)
        def _():
            r0 = pl.multiple_of(u * UROW, 8)

            @pl.when(c == 0)
            def _():
                pltpu.sync_copy(acc_sh.at[pl.ds(r0, UROW)],
                                p0_hbm.at[pl.ds(r0, UROW)])

            @pl.when(c == 1)
            def _():
                pltpu.sync_copy(acc_sh.at[pl.ds(r0, UROW)],
                                p1_hbm.at[pl.ds(r0, UROW)])

        return carry

    lax.fori_loop(0, NUIT, out_body, 0)


@functools.lru_cache(maxsize=None)
def _build_segsum():
    return pl.kernel(
        _segsum_body,
        out_type=(jax.ShapeDtypeStruct((N, D), jnp.float32),
                  jax.ShapeDtypeStruct((N, D), jnp.float32)),
        mesh=plsc.VectorSubcoreMesh(core_axis_name="c", subcore_axis_name="s",
                                    num_cores=NC, num_subcores=NS),
        scratch_types=(
            [pltpu.VMEM_SHARED((NACC, D), jnp.float32)]
            + [pltpu.VMEM((K,), jnp.int32)] * 4
            + [pltpu.VMEM((K, D), jnp.float32)]
            + [pltpu.SemaphoreType.DMA] * 5
        ),
    )


def _segsum(h, src, dst, zrow):
    return _build_segsum()(h, src, dst, zrow)


BR = 2000


def _mlp_body(p0_ref, p1_ref, h_ref, wa_ref, ba_ref, wb_ref, bb_ref, o_ref):
    z = h_ref[...] + (p0_ref[...] + p1_ref[...])
    z = jnp.dot(z, wa_ref[...], preferred_element_type=jnp.float32) + ba_ref[...]
    z = jnp.maximum(z, 0.0)
    z = jnp.dot(z, wb_ref[...], preferred_element_type=jnp.float32) + bb_ref[...]
    o_ref[...] = jnp.maximum(z, 0.0)


def _mlp(p0, p1, h, wa, ba, wb, bb):
    return pl.pallas_call(
        _mlp_body,
        grid=(N // BR,),
        in_specs=[
            pl.BlockSpec((BR, D), lambda i: (i, 0)),
            pl.BlockSpec((BR, D), lambda i: (i, 0)),
            pl.BlockSpec((BR, D), lambda i: (i, 0)),
            pl.BlockSpec((D, D), lambda i: (0, 0)),
            pl.BlockSpec((1, D), lambda i: (0, 0)),
            pl.BlockSpec((D, D), lambda i: (0, 0)),
            pl.BlockSpec((1, D), lambda i: (0, 0)),
        ],
        out_specs=pl.BlockSpec((BR, D), lambda i: (i, 0)),
        out_shape=jax.ShapeDtypeStruct((N, D), jnp.float32),
    )(p0, p1, h, wa, ba, wb, bb)


GPS = 8
NPAD = 10240


def _pool_body(h_ref, bp_ref, wc1_ref, bc1_ref, wc2_ref, bc2_ref, o_ref):
    j = pl.program_id(0)
    bp = bp_ref[...]

    def count_lt(g):
        return jnp.sum((bp < g).astype(jnp.int32))

    pooled_rows = []
    for t in range(GPS):
        g = j * GPS + t
        s0 = count_lt(g)
        s1 = count_lt(g + 1)
        nch = (s1 - s0 + 7) // 8

        def chunk(k, acc, s0=s0, s1=s1):
            base = jnp.minimum(s0 + k * 8, N - 8)
            rows = h_ref[pl.ds(base, 8), :]
            ridx = base + lax.broadcasted_iota(jnp.int32, (8, D), 0)
            m = (ridx >= s0) & (ridx < s1)
            return jnp.maximum(acc, jnp.where(m, rows, -jnp.inf))

        acc = lax.fori_loop(0, nch, chunk, jnp.full((8, D), -jnp.inf))
        pooled_rows.append(jnp.max(acc, axis=0, keepdims=True))

    pooled = jnp.concatenate(pooled_rows, axis=0)
    z = jnp.dot(pooled, wc1_ref[...], preferred_element_type=jnp.float32)
    z = jnp.maximum(z + bc1_ref[...], 0.0)
    y = jnp.dot(z, wc2_ref[...], preferred_element_type=jnp.float32) + bc2_ref[...]
    o_ref[...] = y


def _pool_head(h, bpad, wc1, bc1, wc2, bc2):
    return pl.pallas_call(
        _pool_body,
        grid=(G // GPS,),
        in_specs=[
            pl.BlockSpec((N, D), lambda j: (0, 0)),
            pl.BlockSpec((NPAD // 128, 128), lambda j: (0, 0)),
            pl.BlockSpec((D, D), lambda j: (0, 0)),
            pl.BlockSpec((1, D), lambda j: (0, 0)),
            pl.BlockSpec((D, 1), lambda j: (0, 0)),
            pl.BlockSpec((1, 1), lambda j: (0, 0)),
        ],
        out_specs=pl.BlockSpec((GPS, 1), lambda j: (j, 0)),
        out_shape=jax.ShapeDtypeStruct((G, 1), jnp.float32),
    )(h, bpad, wc1, bc1, wc2, bc2)


def kernel(x, edge_index, batch, W0a, b0a, W0b, b0b, W1a, b1a, W1b, b1b,
           W2a, b2a, W2b, b2b, Wc1, bc1, Wc2, bc2):
    pad = EPAD - E
    src = jnp.concatenate([edge_index[0], jnp.zeros((pad,), jnp.int32)])
    dst = jnp.concatenate([edge_index[1], jnp.full((pad,), N, jnp.int32)])
    zrow = jnp.zeros((N, D), jnp.float32)
    h = x
    for wa, ba, wb, bb in ((W0a, b0a, W0b, b0b),
                           (W1a, b1a, W1b, b1b),
                           (W2a, b2a, W2b, b2b)):
        p0, p1 = _segsum(h, src, dst, zrow)
        h = _mlp(p0, p1, h, wa, ba.reshape(1, D), wb, bb.reshape(1, D))
    bpad = jnp.full((NPAD,), G, jnp.int32).at[:N].set(batch).reshape(NPAD // 128, 128)
    return _pool_head(h, bpad, Wc1, bc1.reshape(1, D), Wc2, bc2.reshape(1, 1))

# --- scband reference (transcript-rebuilt; emitter-appended) ---
"""Pipeline reference for scband-gin-70196945485931 (READ-ONLY COPY).

The authoritative reference and input builder live on the scoring server;
editing this copy changes nothing except your own understanding.
"""

import jax, jax.numpy as jnp
import numpy as np

N = 10000
E = 320000
D = 128
H = 128
G = 64

def _lin_init(key, fan_in, fan_out):
    s = 1.0 / np.sqrt(fan_in)
    kw, kb = jax.random.split(key)
    W = jax.random.uniform(kw, (fan_in, fan_out), minval=-s, maxval=s, dtype=jnp.float32)
    b = jax.random.uniform(kb, (fan_out,), minval=-s, maxval=s, dtype=jnp.float32)
    return W, b

def setup_inputs(seed: int = 0):
    key = jax.random.key(seed)
    ks = jax.random.split(key, 12)
    inp = {}
    inp['x'] = jax.random.normal(ks[0], (N, D), dtype=jnp.float32)
    inp['edge_index'] = jax.random.randint(ks[1], (2, E), 0, N, dtype=jnp.int32)
    inp['batch'] = jnp.sort(jax.random.randint(ks[2], (N,), 0, G, dtype=jnp.int32))
    dims = [(D, H), (H, H), (H, H), (H, H), (H, H), (H, H)]
    names = ['0a', '0b', '1a', '1b', '2a', '2b']
    for i, ((fi, fo), nm) in enumerate(zip(dims, names)):
        W, b = _lin_init(ks[3 + i], fi, fo)
        inp['W' + nm] = W
        inp['b' + nm] = b
    Wc1, bc1 = _lin_init(ks[9], H, H)
    Wc2, bc2 = _lin_init(ks[10], H, 1)
    inp['Wc1'] = Wc1
    inp['bc1'] = bc1
    inp['Wc2'] = Wc2
    inp['bc2'] = bc2
    return inp

def _gin_conv(h, src, dst, Wa, ba, Wb, bb):
    # GINConv with eps=0: MLP((1+eps)*x + sum_{j in N(i)} x_j)
    agg = jax.ops.segment_sum(h[src], dst, num_segments=N)
    z = h + agg
    z = jax.nn.relu(z @ Wa + ba)
    z = jax.nn.relu(z @ Wb + bb)
    return z

def reference(x, edge_index, batch, W0a, b0a, W0b, b0b, W1a, b1a, W1b, b1b, W2a, b2a, W2b, b2b, Wc1, bc1, Wc2, bc2):
    src = edge_index[0]
    dst = edge_index[1]
    h = _gin_conv(x, src, dst, W0a, b0a, W0b, b0b)
    h = _gin_conv(h, src, dst, W1a, b1a, W1b, b1b)
    h = _gin_conv(h, src, dst, W2a, b2a, W2b, b2b)
    pooled = jax.ops.segment_max(h, batch, num_segments=G)
    out = jax.nn.relu(pooled @ Wc1 + bc1)
    # dropout is identity in eval mode
    out = out @ Wc2 + bc2
    return out

if __name__ == "__main__":
    import jax
    _d = setup_inputs()
    print(jax.jit(kernel)(*tuple(_d.values())))

</pallas_src>

<mosaic_0001>
#map = affine_map<(d0, d1) -> (0, 0)>
#map1 = affine_map<(d0, d1) -> (0)>
module attributes {stable_mosaic.version = 14 : i64} {
  func.func @_segsum_body(%arg0: i32, %arg1: i32, %arg2: memref<10000x128xf32, #tpu.memory_space<hbm>>, %arg3: memref<320000xi32, #tpu.memory_space<hbm>>, %arg4: memref<320000xi32, #tpu.memory_space<hbm>>, %arg5: memref<10000x128xf32, #tpu.memory_space<hbm>>, %arg6: memref<10000x128xf32, #tpu.memory_space<hbm>>, %arg7: memref<10000x128xf32, #tpu.memory_space<hbm>>, %arg8: memref<10008x128xf32, #tpu.memory_space<vmem_shared>>, %arg9: memref<80xi32, #tpu.memory_space<vmem>>, %arg10: memref<80xi32, #tpu.memory_space<vmem>>, %arg11: memref<80xi32, #tpu.memory_space<vmem>>, %arg12: memref<80xi32, #tpu.memory_space<vmem>>, %arg13: memref<80x128xf32, #tpu.memory_space<vmem>>, %arg14: memref<!tpu.dma_semaphore, #tpu.memory_space<semaphore_mem>>, %arg15: memref<!tpu.dma_semaphore, #tpu.memory_space<semaphore_mem>>, %arg16: memref<!tpu.dma_semaphore, #tpu.memory_space<semaphore_mem>>, %arg17: memref<!tpu.dma_semaphore, #tpu.memory_space<semaphore_mem>>, %arg18: memref<!tpu.dma_semaphore, #tpu.memory_space<semaphore_mem>>) attributes {dimension_semantics = [#tpu.dimension_semantics<core_parallel>, #tpu.dimension_semantics<subcore_parallel>], iteration_bounds = array<i64: 2, 16>, scalar_prefetch = 0 : i64, scratch_operands = 11 : i64, tpu.core_type = #tpu.core_type<sc_vector_subcore>, window_params = [{transform_indices = #map}, {transform_indices = #map1}, {transform_indices = #map1}, {transform_indices = #map}, {transform_indices = #map}, {transform_indices = #map}]} {
    %mul3A = arith.constant 16 : i32
    %mul3A_0 = arith.muli %arg0, %mul3A : i32
    %add3A = arith.addi %mul3A_0, %arg1 : i32
    %scan3A = arith.constant 0 : i32
    %scan3A_1 = arith.constant 0 : i32
    %scan3A_2 = arith.constant 4 : i32
    %scan3A_3 = arith.addi %scan3A_1, %scan3A_2 : i32
    %scan3A_4 = arith.constant 1 : i32
    scf.for %scan3A_21 = %scan3A_1 to %scan3A_3 step %scan3A_4  : i32 {
      %mul3A_22 = arith.constant 16 : i32
      %mul3A_23 = arith.muli %scan3A_21, %mul3A_22 : i32
      %add3A_24 = arith.addi %arg1, %mul3A_23 : i32
      %lt3A = arith.constant 50 : i32
      %lt3A_25 = arith.cmpi slt, %add3A_24, %lt3A : i32
      %convert_element_type3A = arith.extui %lt3A_25 : i1 to i32
      %cond3A = arith.constant 0 : i32
      %cond3A_26 = arith.cmpi ne, %convert_element_type3A, %cond3A : i32
      scf.if %cond3A_26 {
        %mul3A_27 = arith.constant 200 : i32
        %mul3A_28 = arith.muli %add3A_24, %mul3A_27 : i32
        %multiple_of3A = tpu.assume_multiple %mul3A_28, 8 : i32
        "tpu.region"() ({
          %run_scoped3A = tpu.sem_alloc : memref<!tpu.dma_semaphore, #tpu.memory_space<semaphore_mem>>
          %dma_start3A = arith.constant 0 : i32
          %dma_start3A_29 = tpu.memref_slice %arg8[%multiple_of3A, %dma_start3A] : memref<10008x128xf32, #tpu.memory_space<vmem_shared>> -> memref<200x128xf32, #tpu.memory_space<vmem_shared>>
          %dma_start3A_30 = arith.constant 0 : i32
          %dma_start3A_31 = tpu.memref_slice %arg5[%multiple_of3A, %dma_start3A_30] : memref<10000x128xf32, #tpu.memory_space<hbm>> -> memref<200x128xf32, #tpu.memory_space<hbm>>
          tpu.enqueue_dma source(%dma_start3A_31 : memref<200x128xf32, #tpu.memory_space<hbm>>) target(%dma_start3A_29 : memref<200x128xf32, #tpu.memory_space<vmem_shared>>) target_semaphore(%run_scoped3A : memref<!tpu.dma_semaphore, #tpu.memory_space<semaphore_mem>>)
          %dma_wait3A = arith.constant 0 : i32
          %dma_wait3A_32 = tpu.memref_slice %arg8[%multiple_of3A, %dma_wait3A] : memref<10008x128xf32, #tpu.memory_space<vmem_shared>> -> memref<200x128xf32, #tpu.memory_space<vmem_shared>>
          %dma_wait3A_33 = arith.constant 0 : i32
          %dma_wait3A_34 = tpu.memref_slice %arg5[%multiple_of3A, %dma_wait3A_33] : memref<10000x128xf32, #tpu.memory_space<hbm>> -> memref<200x128xf32, #tpu.memory_space<hbm>>
          tpu.wait_dma2 semaphore(%run_scoped3A : memref<!tpu.dma_semaphore, #tpu.memory_space<semaphore_mem>>) src(%dma_wait3A_34 : memref<200x128xf32, #tpu.memory_space<hbm>>) dst(%dma_wait3A_32 : memref<200x128xf32, #tpu.memory_space<vmem_shared>>)
          tpu.yield
        }) : () -> ()
      } else {
      }
    }
    %scan3A_5 = arith.constant 4 : i32
    %barrier3A = arith.constant 0 : index
    tpu.barrier barrier_id(%barrier3A)
    %mul3A_6 = arith.constant 10000 : i32
    %mul3A_7 = arith.muli %add3A, %mul3A_6 : i32
    %scan3A_8 = arith.constant 0 : i32
    %scan3A_9 = arith.constant 0 : i32
    %scan3A_10 = arith.constant 125 : i32
    %scan3A_11 = arith.addi %scan3A_9, %scan3A_10 : i32
    %scan3A_12 = arith.constant 1 : i32
    scf.for %scan3A_21 = %scan3A_9 to %scan3A_11 step %scan3A_12  : i32 {
      %mul3A_22 = arith.constant 80 : i32
      %mul3A_23 = arith.muli %scan3A_21, %mul3A_22 : i32
      %add3A_24 = arith.addi %mul3A_7, %mul3A_23 : i32
      %multiple_of3A = tpu.assume_multiple %add3A_24, 8 : i32
      "tpu.region"() ({
        %run_scoped3A = tpu.sem_alloc : memref<!tpu.dma_semaphore, #tpu.memory_space<semaphore_mem>>
        %dma_start3A_29 = tpu.memref_slice %arg3[%multiple_of3A] : memref<320000xi32, #tpu.memory_space<hbm>> -> memref<80xi32, #tpu.memory_space<hbm>>
        %dma_start3A_30 = tpu.memref_slice %arg3[%multiple_of3A] : memref<320000xi32, #tpu.memory_space<hbm>> -> memref<80xi32, #tpu.memory_space<hbm>>
        tpu.enqueue_dma source(%dma_start3A_30 : memref<80xi32, #tpu.memory_space<hbm>>) target(%arg9 : memref<80xi32, #tpu.memory_space<vmem>>) target_semaphore(%run_scoped3A : memref<!tpu.dma_semaphore, #tpu.memory_space<semaphore_mem>>)
        %dma_wait3A_31 = tpu.memref_slice %arg3[%multiple_of3A] : memref<320000xi32, #tpu.memory_space<hbm>> -> memref<80xi32, #tpu.memory_space<hbm>>
        %dma_wait3A_32 = tpu.memref_slice %arg3[%multiple_of3A] : memref<320000xi32, #tpu.memory_space<hbm>> -> memref<80xi32, #tpu.memory_space<hbm>>
        tpu.wait_dma2 semaphore(%run_scoped3A : memref<!tpu.dma_semaphore, #tpu.memory_space<semaphore_mem>>) src(%dma_wait3A_32 : memref<80xi32, #tpu.memory_space<hbm>>) dst(%arg9 : memref<80xi32, #tpu.memory_space<vmem>>)
        tpu.yield
      }) : () -> ()
      "tpu.region"() ({
        %run_scoped3A = tpu.sem_alloc : memref<!tpu.dma_semaphore, #tpu.memory_space<semaphore_mem>>
        %dma_start3A_29 = tpu.memref_slice %arg4[%multiple_of3A] : memref<320000xi32, #tpu.memory_space<hbm>> -> memref<80xi32, #tpu.memory_space<hbm>>
        %dma_start3A_30 = tpu.memref_slice %arg4[%multiple_of3A] : memref<320000xi32, #tpu.memory_space<hbm>> -> memref<80xi32, #tpu.memory_space<hbm>>
        tpu.enqueue_dma source(%dma_start3A_30 : memref<80xi32, #tpu.memory_space<hbm>>) target(%arg11 : memref<80xi32, #tpu.memory_space<vmem>>) target_semaphore(%run_scoped3A : memref<!tpu.dma_semaphore, #tpu.memory_space<semaphore_mem>>)
        %dma_wait3A_31 = tpu.memref_slice %arg4[%multiple_of3A] : memref<320000xi32, #tpu.memory_space<hbm>> -> memref<80xi32, #tpu.memory_space<hbm>>
        %dma_wait3A_32 = tpu.memref_slice %arg4[%multiple_of3A] : memref<320000xi32, #tpu.memory_space<hbm>> -> memref<80xi32, #tpu.memory_space<hbm>>
        tpu.wait_dma2 semaphore(%run_scoped3A : memref<!tpu.dma_semaphore, #tpu.memory_space<semaphore_mem>>) src(%dma_wait3A_32 : memref<80xi32, #tpu.memory_space<hbm>>) dst(%arg11 : memref<80xi32, #tpu.memory_space<vmem>>)
        tpu.yield
      }) : () -> ()
      %dma_start3A = arith.constant 0 : i32
      %dma_start3A_25 = arith.constant 0 : i32
      %dma_start3A_26 = tpu.memref_slice %arg2[%dma_start3A, %dma_start3A_25] : memref<10000x128xf32, #tpu.memory_space<hbm>> -> memref<10000x128xf32, #tpu.memory_space<hbm>>
      tpu.enqueue_indirect_dma source(%dma_start3A_26 : memref<10000x128xf32, #tpu.memory_space<hbm>>) target(%arg13 : memref<80x128xf32, #tpu.memory_space<vmem>>) offsets(%arg9 : memref<80xi32, #tpu.memory_space<vmem>>) semaphore(%arg18 : memref<!tpu.dma_semaphore, #tpu.memory_space<semaphore_mem>>)
      %dma_wait3A = arith.constant 0 : i32
      %dma_wait3A_27 = arith.constant 0 : i32
      %dma_wait3A_28 = tpu.memref_slice %arg2[%dma_wait3A, %dma_wait3A_27] : memref<10000x128xf32, #tpu.memory_space<hbm>> -> memref<10000x128xf32, #tpu.memory_space<hbm>>
      tpu.wait_indirect_dma semaphore(%arg18 : memref<!tpu.dma_semaphore, #tpu.memory_space<semaphore_mem>>) src(%dma_wait3A_28 : memref<10000x128xf32, #tpu.memory_space<hbm>>) dst(%arg13 : memref<80x128xf32, #tpu.memory_space<vmem>>)
      "tpu.region"() ({
        %run_scoped3A = tpu.sem_alloc : memref<!tpu.dma_semaphore, #tpu.memory_space<semaphore_mem>>
        %dma_start3A_29 = arith.constant 0 : i32
        %dma_start3A_30 = arith.constant 0 : i32
        %dma_start3A_31 = tpu.memref_slice %arg8[%dma_start3A_29, %dma_start3A_30] : memref<10008x128xf32, #tpu.memory_space<vmem_shared>> -> memref<10008x128xf32, #tpu.memory_space<vmem_shared>>
        tpu.enqueue_indirect_dma source(%arg13 : memref<80x128xf32, #tpu.memory_space<vmem>>) target(%dma_start3A_31 : memref<10008x128xf32, #tpu.memory_space<vmem_shared>>) offsets(%arg11 : memref<80xi32, #tpu.memory_space<vmem>>) semaphore(%run_scoped3A : memref<!tpu.dma_semaphore, #tpu.memory_space<semaphore_mem>>) {add = true}
        %dma_wait3A_32 = arith.constant 0 : i32
        %dma_wait3A_33 = arith.constant 0 : i32
        %dma_wait3A_34 = tpu.memref_slice %arg8[%dma_wait3A_32, %dma_wait3A_33] : memref<10008x128xf32, #tpu.memory_space<vmem_shared>> -> memref<10008x128xf32, #tpu.memory_space<vmem_shared>>
        tpu.wait_indirect_dma semaphore(%run_scoped3A : memref<!tpu.dma_semaphore, #tpu.memory_space<semaphore_mem>>) src(%arg13 : memref<80x128xf32, #tpu.memory_space<vmem>>) dst(%dma_wait3A_34 : memref<10008x128xf32, #tpu.memory_space<vmem_shared>>)
        tpu.yield
      }) : () -> ()
    }
    %scan3A_13 = arith.constant 125 : i32
    %barrier3A_14 = arith.constant 0 : index
    tpu.barrier barrier_id(%barrier3A_14)
    %scan3A_15 = arith.constant 0 : i32
    %scan3A_16 = arith.constant 0 : i32
    %scan3A_17 = arith.constant 4 : i32
    %scan3A_18 = arith.addi %scan3A_16, %scan3A_17 : i32
    %scan3A_19 = arith.constant 1 : i32
    scf.for %scan3A_21 = %scan3A_16 to %scan3A_18 step %scan3A_19  : i32 {
      %mul3A_22 = arith.constant 16 : i32
      %mul3A_23 = arith.muli %scan3A_21, %mul3A_22 : i32
      %add3A_24 = arith.addi %arg1, %mul3A_23 : i32
      %lt3A = arith.constant 50 : i32
      %lt3A_25 = arith.cmpi slt, %add3A_24, %lt3A : i32
      %convert_element_type3A = arith.extui %lt3A_25 : i1 to i32
      %cond3A = arith.constant 0 : i32
      %cond3A_26 = arith.cmpi ne, %convert_element_type3A, %cond3A : i32
      scf.if %cond3A_26 {
        %mul3A_27 = arith.constant 200 : i32
        %mul3A_28 = arith.muli %add3A_24, %mul3A_27 : i32
        %multiple_of3A = tpu.assume_multiple %mul3A_28, 8 : i32
        %eq3A = arith.constant 0 : i32
        %eq3A_29 = arith.cmpi eq, %arg0, %eq3A : i32
        %convert_element_type3A_30 = arith.extui %eq3A_29 : i1 to i32
        %cond3A_31 = arith.constant 0 : i32
        %cond3A_32 = arith.cmpi ne, %convert_element_type3A_30, %cond3A_31 : i32
        scf.if %cond3A_32 {
          "tpu.region"() ({
            %run_scoped3A = tpu.sem_alloc : memref<!tpu.dma_semaphore, #tpu.memory_space<semaphore_mem>>
            %dma_start3A = arith.constant 0 : i32
            %dma_start3A_38 = tpu.memref_slice %arg6[%multiple_of3A, %dma_start3A] : memref<10000x128xf32, #tpu.memory_space<hbm>> -> memref<200x128xf32, #tpu.memory_space<hbm>>
            %dma_start3A_39 = arith.constant 0 : i32
            %dma_start3A_40 = tpu.memref_slice %arg8[%multiple_of3A, %dma_start3A_39] : memref<10008x128xf32, #tpu.memory_space<vmem_shared>> -> memref<200x128xf32, #tpu.memory_space<vmem_shared>>
            tpu.enqueue_dma source(%dma_start3A_40 : memref<200x128xf32, #tpu.memory_space<vmem_shared>>) target(%dma_start3A_38 : memref<200x128xf32, #tpu.memory_space<hbm>>) target_semaphore(%run_scoped3A : memref<!tpu.dma_semaphore, #tpu.memory_space<semaphore_mem>>)
            %dma_wait3A = arith.constant 0 : i32
            %dma_wait3A_41 = tpu.memref_slice %arg6[%multiple_of3A, %dma_wait3A] : memref<10000x128xf32, #tpu.memory_space<hbm>> -> memref<200x128xf32, #tpu.memory_space<hbm>>
            %dma_wait3A_42 = arith.constant 0 : i32
            %dma_wait3A_43 = tpu.memref_slice %arg8[%multiple_of3A, %dma_wait3A_42] : memref<10008x128xf32, #tpu.memory_space<vmem_shared>> -> memref<200x128xf32, #tpu.memory_space<vmem_shared>>
            tpu.wait_dma2 semaphore(%run_scoped3A : memref<!tpu.dma_semaphore, #tpu.memory_space<semaphore_mem>>) src(%dma_wait3A_43 : memref<200x128xf32, #tpu.memory_space<vmem_shared>>) dst(%dma_wait3A_41 : memref<200x128xf32, #tpu.memory_space<hbm>>)
            tpu.yield
          }) : () -> ()
        } else {
        }
        %eq3A_33 = arith.constant 1 : i32
        %eq3A_34 = arith.cmpi eq, %arg0, %eq3A_33 : i32
        %convert_element_type3A_35 = arith.extui %eq3A_34 : i1 to i32
        %cond3A_36 = arith.constant 0 : i32
        %cond3A_37 = arith.cmpi ne, %convert_element_type3A_35, %cond3A_36 : i32
        scf.if %cond3A_37 {
          "tpu.region"() ({
            %run_scoped3A = tpu.sem_alloc : memref<!tpu.dma_semaphore, #tpu.memory_space<semaphore_mem>>
            %dma_start3A = arith.constant 0 : i32
            %dma_start3A_38 = tpu.memref_slice %arg7[%multiple_of3A, %dma_start3A] : memref<10000x128xf32, #tpu.memory_space<hbm>> -> memref<200x128xf32, #tpu.memory_space<hbm>>
            %dma_start3A_39 = arith.constant 0 : i32
            %dma_start3A_40 = tpu.memref_slice %arg8[%multiple_of3A, %dma_start3A_39] : memref<10008x128xf32, #tpu.memory_space<vmem_shared>> -> memref<200x128xf32, #tpu.memory_space<vmem_shared>>
            tpu.enqueue_dma source(%dma_start3A_40 : memref<200x128xf32, #tpu.memory_space<vmem_shared>>) target(%dma_start3A_38 : memref<200x128xf32, #tpu.memory_space<hbm>>) target_semaphore(%run_scoped3A : memref<!tpu.dma_semaphore, #tpu.memory_space<semaphore_mem>>)
            %dma_wait3A = arith.constant 0 : i32
            %dma_wait3A_41 = tpu.memref_slice %arg7[%multiple_of3A, %dma_wait3A] : memref<10000x128xf32, #tpu.memory_space<hbm>> -> memref<200x128xf32, #tpu.memory_space<hbm>>
            %dma_wait3A_42 = arith.constant 0 : i32
            %dma_wait3A_43 = tpu.memref_slice %arg8[%multiple_of3A, %dma_wait3A_42] : memref<10008x128xf32, #tpu.memory_space<vmem_shared>> -> memref<200x128xf32, #tpu.memory_space<vmem_shared>>
            tpu.wait_dma2 semaphore(%run_scoped3A : memref<!tpu.dma_semaphore, #tpu.memory_space<semaphore_mem>>) src(%dma_wait3A_43 : memref<200x128xf32, #tpu.memory_space<vmem_shared>>) dst(%dma_wait3A_41 : memref<200x128xf32, #tpu.memory_space<hbm>>)
            tpu.yield
          }) : () -> ()
        } else {
        }
      } else {
      }
    }
    %scan3A_20 = arith.constant 4 : i32
    return
  }
}

#map = affine_map<(d0, d1) -> (0, 0)>
#map1 = affine_map<(d0, d1) -> (0)>
module attributes {stable_mosaic.version = 14 : i64} {
  func.func @_segsum_body(%arg0: i32, %arg1: i32, %arg2: memref<10000x128xf32, #tpu.memory_space<hbm>>, %arg3: memref<320000xi32, #tpu.memory_space<hbm>>, %arg4: memref<320000xi32, #tpu.memory_space<hbm>>, %arg5: memref<10000x128xf32, #tpu.memory_space<hbm>>, %arg6: memref<10000x128xf32, #tpu.memory_space<hbm>>, %arg7: memref<10000x128xf32, #tpu.memory_space<hbm>>, %arg8: memref<10008x128xf32, #tpu.memory_space<vmem_shared>>, %arg9: memref<80xi32, #tpu.memory_space<vmem>>, %arg10: memref<80xi32, #tpu.memory_space<vmem>>, %arg11: memref<80xi32, #tpu.memory_space<vmem>>, %arg12: memref<80xi32, #tpu.memory_space<vmem>>, %arg13: memref<80x128xf32, #tpu.memory_space<vmem>>, %arg14: memref<!tpu.dma_semaphore, #tpu.memory_space<semaphore_mem>>, %arg15: memref<!tpu.dma_semaphore, #tpu.memory_space<semaphore_mem>>, %arg16: memref<!tpu.dma_semaphore, #tpu.memory_space<semaphore_mem>>, %arg17: memref<!tpu.dma_semaphore, #tpu.memory_space<semaphore_mem>>, %arg18: memref<!tpu.dma_semaphore, #tpu.memory_space<semaphore_mem>>) attributes {dimension_semantics = [#tpu.dimension_semantics<core_parallel>, #tpu.dimension_semantics<subcore_parallel>], iteration_bounds = array<i64: 2, 16>, scalar_prefetch = 0 : i64, scratch_operands = 11 : i64, tpu.core_type = #tpu.core_type<sc_vector_subcore>, window_params = [{transform_indices = #map}, {transform_indices = #map1}, {transform_indices = #map1}, {transform_indices = #map}, {transform_indices = #map}, {transform_indices = #map}]} {
    %mul3A = arith.constant 16 : i32
    %mul3A_0 = arith.muli %arg0, %mul3A : i32
    %add3A = arith.addi %mul3A_0, %arg1 : i32
    %scan3A = arith.constant 0 : i32
    %scan3A_1 = arith.constant 0 : i32
    %scan3A_2 = arith.constant 4 : i32
    %scan3A_3 = arith.addi %scan3A_1, %scan3A_2 : i32
    %scan3A_4 = arith.constant 1 : i32
    scf.for %scan3A_21 = %scan3A_1 to %scan3A_3 step %scan3A_4  : i32 {
      %mul3A_22 = arith.constant 16 : i32
      %mul3A_23 = arith.muli %scan3A_21, %mul3A_22 : i32
      %add3A_24 = arith.addi %arg1, %mul3A_23 : i32
      %lt3A = arith.constant 50 : i32
      %lt3A_25 = arith.cmpi slt, %add3A_24, %lt3A : i32
      %convert_element_type3A = arith.extui %lt3A_25 : i1 to i32
      %cond3A = arith.constant 0 : i32
      %cond3A_26 = arith.cmpi ne, %convert_element_type3A, %cond3A : i32
      scf.if %cond3A_26 {
        %mul3A_27 = arith.constant 200 : i32
        %mul3A_28 = arith.muli %add3A_24, %mul3A_27 : i32
        %multiple_of3A = tpu.assume_multiple %mul3A_28, 8 : i32
        "tpu.region"() ({
          %run_scoped3A = tpu.sem_alloc : memref<!tpu.dma_semaphore, #tpu.memory_space<semaphore_mem>>
          %dma_start3A = arith.constant 0 : i32
          %dma_start3A_29 = tpu.memref_slice %arg8[%multiple_of3A, %dma_start3A] : memref<10008x128xf32, #tpu.memory_space<vmem_shared>> -> memref<200x128xf32, #tpu.memory_space<vmem_shared>>
          %dma_start3A_30 = arith.constant 0 : i32
          %dma_start3A_31 = tpu.memref_slice %arg5[%multiple_of3A, %dma_start3A_30] : memref<10000x128xf32, #tpu.memory_space<hbm>> -> memref<200x128xf32, #tpu.memory_space<hbm>>
          tpu.enqueue_dma source(%dma_start3A_31 : memref<200x128xf32, #tpu.memory_space<hbm>>) target(%dma_start3A_29 : memref<200x128xf32, #tpu.memory_space<vmem_shared>>) target_semaphore(%run_scoped3A : memref<!tpu.dma_semaphore, #tpu.memory_space<semaphore_mem>>)
          %dma_wait3A = arith.constant 0 : i32
          %dma_wait3A_32 = tpu.memref_slice %arg8[%multiple_of3A, %dma_wait3A] : memref<10008x128xf32, #tpu.memory_space<vmem_shared>> -> memref<200x128xf32, #tpu.memory_space<vmem_shared>>
          %dma_wait3A_33 = arith.constant 0 : i32
          %dma_wait3A_34 = tpu.memref_slice %arg5[%multiple_of3A, %dma_wait3A_33] : memref<10000x128xf32, #tpu.memory_space<hbm>> -> memref<200x128xf32, #tpu.memory_space<hbm>>
          tpu.wait_dma2 semaphore(%run_scoped3A : memref<!tpu.dma_semaphore, #tpu.memory_space<semaphore_mem>>) src(%dma_wait3A_34 : memref<200x128xf32, #tpu.memory_space<hbm>>) dst(%dma_wait3A_32 : memref<200x128xf32, #tpu.memory_space<vmem_shared>>)
          tpu.yield
        }) : () -> ()
      } else {
      }
    }
    %scan3A_5 = arith.constant 4 : i32
    %barrier3A = arith.constant 0 : index
    tpu.barrier barrier_id(%barrier3A)
    %mul3A_6 = arith.constant 10000 : i32
    %mul3A_7 = arith.muli %add3A, %mul3A_6 : i32
    %scan3A_8 = arith.constant 0 : i32
    %scan3A_9 = arith.constant 0 : i32
    %scan3A_10 = arith.constant 125 : i32
    %scan3A_11 = arith.addi %scan3A_9, %scan3A_10 : i32
    %scan3A_12 = arith.constant 1 : i32
    scf.for %scan3A_21 = %scan3A_9 to %scan3A_11 step %scan3A_12  : i32 {
      %mul3A_22 = arith.constant 80 : i32
      %mul3A_23 = arith.muli %scan3A_21, %mul3A_22 : i32
      %add3A_24 = arith.addi %mul3A_7, %mul3A_23 : i32
      %multiple_of3A = tpu.assume_multiple %add3A_24, 8 : i32
      "tpu.region"() ({
        %run_scoped3A = tpu.sem_alloc : memref<!tpu.dma_semaphore, #tpu.memory_space<semaphore_mem>>
        %dma_start3A_29 = tpu.memref_slice %arg3[%multiple_of3A] : memref<320000xi32, #tpu.memory_space<hbm>> -> memref<80xi32, #tpu.memory_space<hbm>>
        %dma_start3A_30 = tpu.memref_slice %arg3[%multiple_of3A] : memref<320000xi32, #tpu.memory_space<hbm>> -> memref<80xi32, #tpu.memory_space<hbm>>
        tpu.enqueue_dma source(%dma_start3A_30 : memref<80xi32, #tpu.memory_space<hbm>>) target(%arg9 : memref<80xi32, #tpu.memory_space<vmem>>) target_semaphore(%run_scoped3A : memref<!tpu.dma_semaphore, #tpu.memory_space<semaphore_mem>>)
        %dma_wait3A_31 = tpu.memref_slice %arg3[%multiple_of3A] : memref<320000xi32, #tpu.memory_space<hbm>> -> memref<80xi32, #tpu.memory_space<hbm>>
        %dma_wait3A_32 = tpu.memref_slice %arg3[%multiple_of3A] : memref<320000xi32, #tpu.memory_space<hbm>> -> memref<80xi32, #tpu.memory_space<hbm>>
        tpu.wait_dma2 semaphore(%run_scoped3A : memref<!tpu.dma_semaphore, #tpu.memory_space<semaphore_mem>>) src(%dma_wait3A_32 : memref<80xi32, #tpu.memory_space<hbm>>) dst(%arg9 : memref<80xi32, #tpu.memory_space<vmem>>)
        tpu.yield
      }) : () -> ()
      "tpu.region"() ({
        %run_scoped3A = tpu.sem_alloc : memref<!tpu.dma_semaphore, #tpu.memory_space<semaphore_mem>>
        %dma_start3A_29 = tpu.memref_slice %arg4[%multiple_of3A] : memref<320000xi32, #tpu.memory_space<hbm>> -> memref<80xi32, #tpu.memory_space<hbm>>
        %dma_start3A_30 = tpu.memref_slice %arg4[%multiple_of3A] : memref<320000xi32, #tpu.memory_space<hbm>> -> memref<80xi32, #tpu.memory_space<hbm>>
        tpu.enqueue_dma source(%dma_start3A_30 : memref<80xi32, #tpu.memory_space<hbm>>) target(%arg11 : memref<80xi32, #tpu.memory_space<vmem>>) target_semaphore(%run_scoped3A : memref<!tpu.dma_semaphore, #tpu.memory_space<semaphore_mem>>)
        %dma_wait3A_31 = tpu.memref_slice %arg4[%multiple_of3A] : memref<320000xi32, #tpu.memory_space<hbm>> -> memref<80xi32, #tpu.memory_space<hbm>>
        %dma_wait3A_32 = tpu.memref_slice %arg4[%multiple_of3A] : memref<320000xi32, #tpu.memory_space<hbm>> -> memref<80xi32, #tpu.memory_space<hbm>>
        tpu.wait_dma2 semaphore(%run_scoped3A : memref<!tpu.dma_semaphore, #tpu.memory_space<semaphore_mem>>) src(%dma_wait3A_32 : memref<80xi32, #tpu.memory_space<hbm>>) dst(%arg11 : memref<80xi32, #tpu.memory_space<vmem>>)
        tpu.yield
      }) : () -> ()
      %dma_start3A = arith.constant 0 : i32
      %dma_start3A_25 = arith.constant 0 : i32
      %dma_start3A_26 = tpu.memref_slice %arg2[%dma_start3A, %dma_start3A_25] : memref<10000x128xf32, #tpu.memory_space<hbm>> -> memref<10000x128xf32, #tpu.memory_space<hbm>>
      tpu.enqueue_indirect_dma source(%dma_start3A_26 : memref<10000x128xf32, #tpu.memory_space<hbm>>) target(%arg13 : memref<80x128xf32, #tpu.memory_space<vmem>>) offsets(%arg9 : memref<80xi32, #tpu.memory_space<vmem>>) semaphore(%arg18 : memref<!tpu.dma_semaphore, #tpu.memory_space<semaphore_mem>>)
      %dma_wait3A = arith.constant 0 : i32
      %dma_wait3A_27 = arith.constant 0 : i32
      %dma_wait3A_28 = tpu.memref_slice %arg2[%dma_wait3A, %dma_wait3A_27] : memref<10000x128xf32, #tpu.memory_space<hbm>> -> memref<10000x128xf32, #tpu.memory_space<hbm>>
      tpu.wait_indirect_dma semaphore(%arg18 : memref<!tpu.dma_semaphore, #tpu.memory_space<semaphore_mem>>) src(%dma_wait3A_28 : memref<10000x128xf32, #tpu.memory_space<hbm>>) dst(%arg13 : memref<80x128xf32, #tpu.memory_space<vmem>>)
      "tpu.region"() ({
        %run_scoped3A = tpu.sem_alloc : memref<!tpu.dma_semaphore, #tpu.memory_space<semaphore_mem>>
        %dma_start3A_29 = arith.constant 0 : i32
        %dma_start3A_30 = arith.constant 0 : i32
        %dma_start3A_31 = tpu.memref_slice %arg8[%dma_start3A_29, %dma_start3A_30] : memref<10008x128xf32, #tpu.memory_space<vmem_shared>> -> memref<10008x128xf32, #tpu.memory_space<vmem_shared>>
        tpu.enqueue_indirect_dma source(%arg13 : memref<80x128xf32, #tpu.memory_space<vmem>>) target(%dma_start3A_31 : memref<10008x128xf32, #tpu.memory_space<vmem_shared>>) offsets(%arg11 : memref<80xi32, #tpu.memory_space<vmem>>) semaphore(%run_scoped3A : memref<!tpu.dma_semaphore, #tpu.memory_space<semaphore_mem>>) {add = true}
        %dma_wait3A_32 = arith.constant 0 : i32
        %dma_wait3A_33 = arith.constant 0 : i32
        %dma_wait3A_34 = tpu.memref_slice %arg8[%dma_wait3A_32, %dma_wait3A_33] : memref<10008x128xf32, #tpu.memory_space<vmem_shared>> -> memref<10008x128xf32, #tpu.memory_space<vmem_shared>>
        tpu.wait_indirect_dma semaphore(%run_scoped3A : memref<!tpu.dma_semaphore, #tpu.memory_space<semaphore_mem>>) src(%arg13 : memref<80x128xf32, #tpu.memory_space<vmem>>) dst(%dma_wait3A_34 : memref<10008x128xf32, #tpu.memory_space<vmem_shared>>)
        tpu.yield
      }) : () -> ()
    }
    %scan3A_13 = arith.constant 125 : i32
    %barrier3A_14 = arith.constant 0 : index
    tpu.barrier barrier_id(%barrier3A_14)
    %scan3A_15 = arith.constant 0 : i32
    %scan3A_16 = arith.constant 0 : i32
    %scan3A_17 = arith.constant 4 : i32
    %scan3A_18 = arith.addi %scan3A_16, %scan3A_17 : i32
    %scan3A_19 = arith.constant 1 : i32
    scf.for %scan3A_21 = %scan3A_16 to %scan3A_18 step %scan3A_19  : i32 {
      %mul3A_22 = arith.constant 16 : i32
      %mul3A_23 = arith.muli %scan3A_21, %mul3A_22 : i32
      %add3A_24 = arith.addi %arg1, %mul3A_23 : i32
      %lt3A = arith.constant 50 : i32
      %lt3A_25 = arith.cmpi slt, %add3A_24, %lt3A : i32
      %convert_element_type3A = arith.extui %lt3A_25 : i1 to i32
      %cond3A = arith.constant 0 : i32
      %cond3A_26 = arith.cmpi ne, %convert_element_type3A, %cond3A : i32
      scf.if %cond3A_26 {
        %mul3A_27 = arith.constant 200 : i32
        %mul3A_28 = arith.muli %add3A_24, %mul3A_27 : i32
        %multiple_of3A = tpu.assume_multiple %mul3A_28, 8 : i32
        %eq3A = arith.constant 0 : i32
        %eq3A_29 = arith.cmpi eq, %arg0, %eq3A : i32
        %convert_element_type3A_30 = arith.extui %eq3A_29 : i1 to i32
        %cond3A_31 = arith.constant 0 : i32
        %cond3A_32 = arith.cmpi ne, %convert_element_type3A_30, %cond3A_31 : i32
        scf.if %cond3A_32 {
          "tpu.region"() ({
            %run_scoped3A = tpu.sem_alloc : memref<!tpu.dma_semaphore, #tpu.memory_space<semaphore_mem>>
            %dma_start3A = arith.constant 0 : i32
            %dma_start3A_38 = tpu.memref_slice %arg6[%multiple_of3A, %dma_start3A] : memref<10000x128xf32, #tpu.memory_space<hbm>> -> memref<200x128xf32, #tpu.memory_space<hbm>>
            %dma_start3A_39 = arith.constant 0 : i32
            %dma_start3A_40 = tpu.memref_slice %arg8[%multiple_of3A, %dma_start3A_39] : memref<10008x128xf32, #tpu.memory_space<vmem_shared>> -> memref<200x128xf32, #tpu.memory_space<vmem_shared>>
            tpu.enqueue_dma source(%dma_start3A_40 : memref<200x128xf32, #tpu.memory_space<vmem_shared>>) target(%dma_start3A_38 : memref<200x128xf32, #tpu.memory_space<hbm>>) target_semaphore(%run_scoped3A : memref<!tpu.dma_semaphore, #tpu.memory_space<semaphore_mem>>)
            %dma_wait3A = arith.constant 0 : i32
            %dma_wait3A_41 = tpu.memref_slice %arg6[%multiple_of3A, %dma_wait3A] : memref<10000x128xf32, #tpu.memory_space<hbm>> -> memref<200x128xf32, #tpu.memory_space<hbm>>
            %dma_wait3A_42 = arith.constant 0 : i32
            %dma_wait3A_43 = tpu.memref_slice %arg8[%multiple_of3A, %dma_wait3A_42] : memref<10008x128xf32, #tpu.memory_space<vmem_shared>> -> memref<200x128xf32, #tpu.memory_space<vmem_shared>>
            tpu.wait_dma2 semaphore(%run_scoped3A : memref<!tpu.dma_semaphore, #tpu.memory_space<semaphore_mem>>) src(%dma_wait3A_43 : memref<200x128xf32, #tpu.memory_space<vmem_shared>>) dst(%dma_wait3A_41 : memref<200x128xf32, #tpu.memory_space<hbm>>)
            tpu.yield
          }) : () -> ()
        } else {
        }
        %eq3A_33 = arith.constant 1 : i32
        %eq3A_34 = arith.cmpi eq, %arg0, %eq3A_33 : i32
        %convert_element_type3A_35 = arith.extui %eq3A_34 : i1 to i32
        %cond3A_36 = arith.constant 0 : i32
        %cond3A_37 = arith.cmpi ne, %convert_element_type3A_35, %cond3A_36 : i32
        scf.if %cond3A_37 {
          "tpu.region"() ({
            %run_scoped3A = tpu.sem_alloc : memref<!tpu.dma_semaphore, #tpu.memory_space<semaphore_mem>>
            %dma_start3A = arith.constant 0 : i32
            %dma_start3A_38 = tpu.memref_slice %arg7[%multiple_of3A, %dma_start3A] : memref<10000x128xf32, #tpu.memory_space<hbm>> -> memref<200x128xf32, #tpu.memory_space<hbm>>
            %dma_start3A_39 = arith.constant 0 : i32
            %dma_start3A_40 = tpu.memref_slice %arg8[%multiple_of3A, %dma_start3A_39] : memref<10008x128xf32, #tpu.memory_space<vmem_shared>> -> memref<200x128xf32, #tpu.memory_space<vmem_shared>>
            tpu.enqueue_dma source(%dma_start3A_40 : memref<200x128xf32, #tpu.memory_space<vmem_shared>>) target(%dma_start3A_38 : memref<200x128xf32, #tpu.memory_space<hbm>>) target_semaphore(%run_scoped3A : memref<!tpu.dma_semaphore, #tpu.memory_space<semaphore_mem>>)
            %dma_wait3A = arith.constant 0 : i32
            %dma_wait3A_41 = tpu.memref_slice %arg7[%multiple_of3A, %dma_wait3A] : memref<10000x128xf32, #tpu.memory_space<hbm>> -> memref<200x128xf32, #tpu.memory_space<hbm>>
            %dma_wait3A_42 = arith.constant 0 : i32
            %dma_wait3A_43 = tpu.memref_slice %arg8[%multiple_of3A, %dma_wait3A_42] : memref<10008x128xf32, #tpu.memory_space<vmem_shared>> -> memref<200x128xf32, #tpu.memory_space<vmem_shared>>
            tpu.wait_dma2 semaphore(%run_scoped3A : memref<!tpu.dma_semaphore, #tpu.memory_space<semaphore_mem>>) src(%dma_wait3A_43 : memref<200x128xf32, #tpu.memory_space<vmem_shared>>) dst(%dma_wait3A_41 : memref<200x128xf32, #tpu.memory_space<hbm>>)
            tpu.yield
          }) : () -> ()
        } else {
        }
      } else {
      }
    }
    %scan3A_20 = arith.constant 4 : i32
    return
  }
}

#map = affine_map<(d0, d1) -> (0, 0)>
#map1 = affine_map<(d0, d1) -> (0)>
module attributes {stable_mosaic.version = 14 : i64} {
  func.func @_segsum_body(%arg0: i32, %arg1: i32, %arg2: memref<10000x128xf32, #tpu.memory_space<hbm>>, %arg3: memref<320000xi32, #tpu.memory_space<hbm>>, %arg4: memref<320000xi32, #tpu.memory_space<hbm>>, %arg5: memref<10000x128xf32, #tpu.memory_space<hbm>>, %arg6: memref<10000x128xf32, #tpu.memory_space<hbm>>, %arg7: memref<10000x128xf32, #tpu.memory_space<hbm>>, %arg8: memref<10008x128xf32, #tpu.memory_space<vmem_shared>>, %arg9: memref<80xi32, #tpu.memory_space<vmem>>, %arg10: memref<80xi32, #tpu.memory_space<vmem>>, %arg11: memref<80xi32, #tpu.memory_space<vmem>>, %arg12: memref<80xi32, #tpu.memory_space<vmem>>, %arg13: memref<80x128xf32, #tpu.memory_space<vmem>>, %arg14: memref<!tpu.dma_semaphore, #tpu.memory_space<semaphore_mem>>, %arg15: memref<!tpu.dma_semaphore, #tpu.memory_space<semaphore_mem>>, %arg16: memref<!tpu.dma_semaphore, #tpu.memory_space<semaphore_mem>>, %arg17: memref<!tpu.dma_semaphore, #tpu.memory_space<semaphore_mem>>, %arg18: memref<!tpu.dma_semaphore, #tpu.memory_space<semaphore_mem>>) attributes {dimension_semantics = [#tpu.dimension_semantics<core_parallel>, #tpu.dimension_semantics<subcore_parallel>], iteration_bounds = array<i64: 2, 16>, scalar_prefetch = 0 : i64, scratch_operands = 11 : i64, tpu.core_type = #tpu.core_type<sc_vector_subcore>, window_params = [{transform_indices = #map}, {transform_indices = #map1}, {transform_indices = #map1}, {transform_indices = #map}, {transform_indices = #map}, {transform_indices = #map}]} {
    %mul3A = arith.constant 16 : i32
    %mul3A_0 = arith.muli %arg0, %mul3A : i32
    %add3A = arith.addi %mul3A_0, %arg1 : i32
    %scan3A = arith.constant 0 : i32
    %scan3A_1 = arith.constant 0 : i32
    %scan3A_2 = arith.constant 4 : i32
    %scan3A_3 = arith.addi %scan3A_1, %scan3A_2 : i32
    %scan3A_4 = arith.constant 1 : i32
    scf.for %scan3A_21 = %scan3A_1 to %scan3A_3 step %scan3A_4  : i32 {
      %mul3A_22 = arith.constant 16 : i32
      %mul3A_23 = arith.muli %scan3A_21, %mul3A_22 : i32
      %add3A_24 = arith.addi %arg1, %mul3A_23 : i32
      %lt3A = arith.constant 50 : i32
      %lt3A_25 = arith.cmpi slt, %add3A_24, %lt3A : i32
      %convert_element_type3A = arith.extui %lt3A_25 : i1 to i32
      %cond3A = arith.constant 0 : i32
      %cond3A_26 = arith.cmpi ne, %convert_element_type3A, %cond3A : i32
      scf.if %cond3A_26 {
        %mul3A_27 = arith.constant 200 : i32
        %mul3A_28 = arith.muli %add3A_24, %mul3A_27 : i32
        %multiple_of3A = tpu.assume_multiple %mul3A_28, 8 : i32
        "tpu.region"() ({
          %run_scoped3A = tpu.sem_alloc : memref<!tpu.dma_semaphore, #tpu.memory_space<semaphore_mem>>
          %dma_start3A = arith.constant 0 : i32
          %dma_start3A_29 = tpu.memref_slice %arg8[%multiple_of3A, %dma_start3A] : memref<10008x128xf32, #tpu.memory_space<vmem_shared>> -> memref<200x128xf32, #tpu.memory_space<vmem_shared>>
          %dma_start3A_30 = arith.constant 0 : i32
          %dma_start3A_31 = tpu.memref_slice %arg5[%multiple_of3A, %dma_start3A_30] : memref<10000x128xf32, #tpu.memory_space<hbm>> -> memref<200x128xf32, #tpu.memory_space<hbm>>
          tpu.enqueue_dma source(%dma_start3A_31 : memref<200x128xf32, #tpu.memory_space<hbm>>) target(%dma_start3A_29 : memref<200x128xf32, #tpu.memory_space<vmem_shared>>) target_semaphore(%run_scoped3A : memref<!tpu.dma_semaphore, #tpu.memory_space<semaphore_mem>>)
          %dma_wait3A = arith.constant 0 : i32
          %dma_wait3A_32 = tpu.memref_slice %arg8[%multiple_of3A, %dma_wait3A] : memref<10008x128xf32, #tpu.memory_space<vmem_shared>> -> memref<200x128xf32, #tpu.memory_space<vmem_shared>>
          %dma_wait3A_33 = arith.constant 0 : i32
          %dma_wait3A_34 = tpu.memref_slice %arg5[%multiple_of3A, %dma_wait3A_33] : memref<10000x128xf32, #tpu.memory_space<hbm>> -> memref<200x128xf32, #tpu.memory_space<hbm>>
          tpu.wait_dma2 semaphore(%run_scoped3A : memref<!tpu.dma_semaphore, #tpu.memory_space<semaphore_mem>>) src(%dma_wait3A_34 : memref<200x128xf32, #tpu.memory_space<hbm>>) dst(%dma_wait3A_32 : memref<200x128xf32, #tpu.memory_space<vmem_shared>>)
          tpu.yield
        }) : () -> ()
      } else {
      }
    }
    %scan3A_5 = arith.constant 4 : i32
    %barrier3A = arith.constant 0 : index
    tpu.barrier barrier_id(%barrier3A)
    %mul3A_6 = arith.constant 10000 : i32
    %mul3A_7 = arith.muli %add3A, %mul3A_6 : i32
    %scan3A_8 = arith.constant 0 : i32
    %scan3A_9 = arith.constant 0 : i32
    %scan3A_10 = arith.constant 125 : i32
    %scan3A_11 = arith.addi %scan3A_9, %scan3A_10 : i32
    %scan3A_12 = arith.constant 1 : i32
    scf.for %scan3A_21 = %scan3A_9 to %scan3A_11 step %scan3A_12  : i32 {
      %mul3A_22 = arith.constant 80 : i32
      %mul3A_23 = arith.muli %scan3A_21, %mul3A_22 : i32
      %add3A_24 = arith.addi %mul3A_7, %mul3A_23 : i32
      %multiple_of3A = tpu.assume_multiple %add3A_24, 8 : i32
      "tpu.region"() ({
        %run_scoped3A = tpu.sem_alloc : memref<!tpu.dma_semaphore, #tpu.memory_space<semaphore_mem>>
        %dma_start3A_29 = tpu.memref_slice %arg3[%multiple_of3A] : memref<320000xi32, #tpu.memory_space<hbm>> -> memref<80xi32, #tpu.memory_space<hbm>>
        %dma_start3A_30 = tpu.memref_slice %arg3[%multiple_of3A] : memref<320000xi32, #tpu.memory_space<hbm>> -> memref<80xi32, #tpu.memory_space<hbm>>
        tpu.enqueue_dma source(%dma_start3A_30 : memref<80xi32, #tpu.memory_space<hbm>>) target(%arg9 : memref<80xi32, #tpu.memory_space<vmem>>) target_semaphore(%run_scoped3A : memref<!tpu.dma_semaphore, #tpu.memory_space<semaphore_mem>>)
        %dma_wait3A_31 = tpu.memref_slice %arg3[%multiple_of3A] : memref<320000xi32, #tpu.memory_space<hbm>> -> memref<80xi32, #tpu.memory_space<hbm>>
        %dma_wait3A_32 = tpu.memref_slice %arg3[%multiple_of3A] : memref<320000xi32, #tpu.memory_space<hbm>> -> memref<80xi32, #tpu.memory_space<hbm>>
        tpu.wait_dma2 semaphore(%run_scoped3A : memref<!tpu.dma_semaphore, #tpu.memory_space<semaphore_mem>>) src(%dma_wait3A_32 : memref<80xi32, #tpu.memory_space<hbm>>) dst(%arg9 : memref<80xi32, #tpu.memory_space<vmem>>)
        tpu.yield
      }) : () -> ()
      "tpu.region"() ({
        %run_scoped3A = tpu.sem_alloc : memref<!tpu.dma_semaphore, #tpu.memory_space<semaphore_mem>>
        %dma_start3A_29 = tpu.memref_slice %arg4[%multiple_of3A] : memref<320000xi32, #tpu.memory_space<hbm>> -> memref<80xi32, #tpu.memory_space<hbm>>
        %dma_start3A_30 = tpu.memref_slice %arg4[%multiple_of3A] : memref<320000xi32, #tpu.memory_space<hbm>> -> memref<80xi32, #tpu.memory_space<hbm>>
        tpu.enqueue_dma source(%dma_start3A_30 : memref<80xi32, #tpu.memory_space<hbm>>) target(%arg11 : memref<80xi32, #tpu.memory_space<vmem>>) target_semaphore(%run_scoped3A : memref<!tpu.dma_semaphore, #tpu.memory_space<semaphore_mem>>)
        %dma_wait3A_31 = tpu.memref_slice %arg4[%multiple_of3A] : memref<320000xi32, #tpu.memory_space<hbm>> -> memref<80xi32, #tpu.memory_space<hbm>>
        %dma_wait3A_32 = tpu.memref_slice %arg4[%multiple_of3A] : memref<320000xi32, #tpu.memory_space<hbm>> -> memref<80xi32, #tpu.memory_space<hbm>>
        tpu.wait_dma2 semaphore(%run_scoped3A : memref<!tpu.dma_semaphore, #tpu.memory_space<semaphore_mem>>) src(%dma_wait3A_32 : memref<80xi32, #tpu.memory_space<hbm>>) dst(%arg11 : memref<80xi32, #tpu.memory_space<vmem>>)
        tpu.yield
      }) : () -> ()
      %dma_start3A = arith.constant 0 : i32
      %dma_start3A_25 = arith.constant 0 : i32
      %dma_start3A_26 = tpu.memref_slice %arg2[%dma_start3A, %dma_start3A_25] : memref<10000x128xf32, #tpu.memory_space<hbm>> -> memref<10000x128xf32, #tpu.memory_space<hbm>>
      tpu.enqueue_indirect_dma source(%dma_start3A_26 : memref<10000x128xf32, #tpu.memory_space<hbm>>) target(%arg13 : memref<80x128xf32, #tpu.memory_space<vmem>>) offsets(%arg9 : memref<80xi32, #tpu.memory_space<vmem>>) semaphore(%arg18 : memref<!tpu.dma_semaphore, #tpu.memory_space<semaphore_mem>>)
      %dma_wait3A = arith.constant 0 : i32
      %dma_wait3A_27 = arith.constant 0 : i32
      %dma_wait3A_28 = tpu.memref_slice %arg2[%dma_wait3A, %dma_wait3A_27] : memref<10000x128xf32, #tpu.memory_space<hbm>> -> memref<10000x128xf32, #tpu.memory_space<hbm>>
      tpu.wait_indirect_dma semaphore(%arg18 : memref<!tpu.dma_semaphore, #tpu.memory_space<semaphore_mem>>) src(%dma_wait3A_28 : memref<10000x128xf32, #tpu.memory_space<hbm>>) dst(%arg13 : memref<80x128xf32, #tpu.memory_space<vmem>>)
      "tpu.region"() ({
        %run_scoped3A = tpu.sem_alloc : memref<!tpu.dma_semaphore, #tpu.memory_space<semaphore_mem>>
        %dma_start3A_29 = arith.constant 0 : i32
        %dma_start3A_30 = arith.constant 0 : i32
        %dma_start3A_31 = tpu.memref_slice %arg8[%dma_start3A_29, %dma_start3A_30] : memref<10008x128xf32, #tpu.memory_space<vmem_shared>> -> memref<10008x128xf32, #tpu.memory_space<vmem_shared>>
        tpu.enqueue_indirect_dma source(%arg13 : memref<80x128xf32, #tpu.memory_space<vmem>>) target(%dma_start3A_31 : memref<10008x128xf32, #tpu.memory_space<vmem_shared>>) offsets(%arg11 : memref<80xi32, #tpu.memory_space<vmem>>) semaphore(%run_scoped3A : memref<!tpu.dma_semaphore, #tpu.memory_space<semaphore_mem>>) {add = true}
        %dma_wait3A_32 = arith.constant 0 : i32
        %dma_wait3A_33 = arith.constant 0 : i32
        %dma_wait3A_34 = tpu.memref_slice %arg8[%dma_wait3A_32, %dma_wait3A_33] : memref<10008x128xf32, #tpu.memory_space<vmem_shared>> -> memref<10008x128xf32, #tpu.memory_space<vmem_shared>>
        tpu.wait_indirect_dma semaphore(%run_scoped3A : memref<!tpu.dma_semaphore, #tpu.memory_space<semaphore_mem>>) src(%arg13 : memref<80x128xf32, #tpu.memory_space<vmem>>) dst(%dma_wait3A_34 : memref<10008x128xf32, #tpu.memory_space<vmem_shared>>)
        tpu.yield
      }) : () -> ()
    }
    %scan3A_13 = arith.constant 125 : i32
    %barrier3A_14 = arith.constant 0 : index
    tpu.barrier barrier_id(%barrier3A_14)
    %scan3A_15 = arith.constant 0 : i32
    %scan3A_16 = arith.constant 0 : i32
    %scan3A_17 = arith.constant 4 : i32
    %scan3A_18 = arith.addi %scan3A_16, %scan3A_17 : i32
    %scan3A_19 = arith.constant 1 : i32
    scf.for %scan3A_21 = %scan3A_16 to %scan3A_18 step %scan3A_19  : i32 {
      %mul3A_22 = arith.constant 16 : i32
      %mul3A_23 = arith.muli %scan3A_21, %mul3A_22 : i32
      %add3A_24 = arith.addi %arg1, %mul3A_23 : i32
      %lt3A = arith.constant 50 : i32
      %lt3A_25 = arith.cmpi slt, %add3A_24, %lt3A : i32
      %convert_element_type3A = arith.extui %lt3A_25 : i1 to i32
      %cond3A = arith.constant 0 : i32
      %cond3A_26 = arith.cmpi ne, %convert_element_type3A, %cond3A : i32
      scf.if %cond3A_26 {
        %mul3A_27 = arith.constant 200 : i32
        %mul3A_28 = arith.muli %add3A_24, %mul3A_27 : i32
        %multiple_of3A = tpu.assume_multiple %mul3A_28, 8 : i32
        %eq3A = arith.constant 0 : i32
        %eq3A_29 = arith.cmpi eq, %arg0, %eq3A : i32
        %convert_element_type3A_30 = arith.extui %eq3A_29 : i1 to i32
        %cond3A_31 = arith.constant 0 : i32
        %cond3A_32 = arith.cmpi ne, %convert_element_type3A_30, %cond3A_31 : i32
        scf.if %cond3A_32 {
          "tpu.region"() ({
            %run_scoped3A = tpu.sem_alloc : memref<!tpu.dma_semaphore, #tpu.memory_space<semaphore_mem>>
            %dma_start3A = arith.constant 0 : i32
            %dma_start3A_38 = tpu.memref_slice %arg6[%multiple_of3A, %dma_start3A] : memref<10000x128xf32, #tpu.memory_space<hbm>> -> memref<200x128xf32, #tpu.memory_space<hbm>>
            %dma_start3A_39 = arith.constant 0 : i32
            %dma_start3A_40 = tpu.memref_slice %arg8[%multiple_of3A, %dma_start3A_39] : memref<10008x128xf32, #tpu.memory_space<vmem_shared>> -> memref<200x128xf32, #tpu.memory_space<vmem_shared>>
            tpu.enqueue_dma source(%dma_start3A_40 : memref<200x128xf32, #tpu.memory_space<vmem_shared>>) target(%dma_start3A_38 : memref<200x128xf32, #tpu.memory_space<hbm>>) target_semaphore(%run_scoped3A : memref<!tpu.dma_semaphore, #tpu.memory_space<semaphore_mem>>)
            %dma_wait3A = arith.constant 0 : i32
            %dma_wait3A_41 = tpu.memref_slice %arg6[%multiple_of3A, %dma_wait3A] : memref<10000x128xf32, #tpu.memory_space<hbm>> -> memref<200x128xf32, #tpu.memory_space<hbm>>
            %dma_wait3A_42 = arith.constant 0 : i32
            %dma_wait3A_43 = tpu.memref_slice %arg8[%multiple_of3A, %dma_wait3A_42] : memref<10008x128xf32, #tpu.memory_space<vmem_shared>> -> memref<200x128xf32, #tpu.memory_space<vmem_shared>>
            tpu.wait_dma2 semaphore(%run_scoped3A : memref<!tpu.dma_semaphore, #tpu.memory_space<semaphore_mem>>) src(%dma_wait3A_43 : memref<200x128xf32, #tpu.memory_space<vmem_shared>>) dst(%dma_wait3A_41 : memref<200x128xf32, #tpu.memory_space<hbm>>)
            tpu.yield
          }) : () -> ()
        } else {
        }
        %eq3A_33 = arith.constant 1 : i32
        %eq3A_34 = arith.cmpi eq, %arg0, %eq3A_33 : i32
        %convert_element_type3A_35 = arith.extui %eq3A_34 : i1 to i32
        %cond3A_36 = arith.constant 0 : i32
        %cond3A_37 = arith.cmpi ne, %convert_element_type3A_35, %cond3A_36 : i32
        scf.if %cond3A_37 {
          "tpu.region"() ({
            %run_scoped3A = tpu.sem_alloc : memref<!tpu.dma_semaphore, #tpu.memory_space<semaphore_mem>>
            %dma_start3A = arith.constant 0 : i32
            %dma_start3A_38 = tpu.memref_slice %arg7[%multiple_of3A, %dma_start3A] : memref<10000x128xf32, #tpu.memory_space<hbm>> -> memref<200x128xf32, #tpu.memory_space<hbm>>
            %dma_start3A_39 = arith.constant 0 : i32
            %dma_start3A_40 = tpu.memref_slice %arg8[%multiple_of3A, %dma_start3A_39] : memref<10008x128xf32, #tpu.memory_space<vmem_shared>> -> memref<200x128xf32, #tpu.memory_space<vmem_shared>>
            tpu.enqueue_dma source(%dma_start3A_40 : memref<200x128xf32, #tpu.memory_space<vmem_shared>>) target(%dma_start3A_38 : memref<200x128xf32, #tpu.memory_space<hbm>>) target_semaphore(%run_scoped3A : memref<!tpu.dma_semaphore, #tpu.memory_space<semaphore_mem>>)
            %dma_wait3A = arith.constant 0 : i32
            %dma_wait3A_41 = tpu.memref_slice %arg7[%multiple_of3A, %dma_wait3A] : memref<10000x128xf32, #tpu.memory_space<hbm>> -> memref<200x128xf32, #tpu.memory_space<hbm>>
            %dma_wait3A_42 = arith.constant 0 : i32
            %dma_wait3A_43 = tpu.memref_slice %arg8[%multiple_of3A, %dma_wait3A_42] : memref<10008x128xf32, #tpu.memory_space<vmem_shared>> -> memref<200x128xf32, #tpu.memory_space<vmem_shared>>
            tpu.wait_dma2 semaphore(%run_scoped3A : memref<!tpu.dma_semaphore, #tpu.memory_space<semaphore_mem>>) src(%dma_wait3A_43 : memref<200x128xf32, #tpu.memory_space<vmem_shared>>) dst(%dma_wait3A_41 : memref<200x128xf32, #tpu.memory_space<hbm>>)
            tpu.yield
          }) : () -> ()
        } else {
        }
      } else {
      }
    }
    %scan3A_20 = arith.constant 4 : i32
    return
  }
}

module attributes {stable_mosaic.version = 14 : i64} {
  func.func @_mlp_body(%arg0: i32, %arg1: memref<2000x128xf32, #tpu.memory_space<vmem>>, %arg2: memref<2000x128xf32, #tpu.memory_space<vmem>>, %arg3: memref<2000x128xf32, #tpu.memory_space<vmem>>, %arg4: memref<128x128xf32, #tpu.memory_space<vmem>>, %arg5: memref<1x128xf32, #tpu.memory_space<vmem>>, %arg6: memref<128x128xf32, #tpu.memory_space<vmem>>, %arg7: memref<1x128xf32, #tpu.memory_space<vmem>>, %arg8: memref<2000x128xf32, #tpu.memory_space<vmem>>) attributes {dimension_semantics = [#tpu.dimension_semantics<arbitrary>], iteration_bounds = array<i64: 5>, scalar_prefetch = 0 : i64, scratch_operands = 0 : i64, tpu.core_type = #tpu.core_type<tc>, window_params = [{transform_indices = @transform_0, window_bounds = array<i64: 2000, 128>}, {transform_indices = @transform_1, window_bounds = array<i64: 2000, 128>}, {transform_indices = @transform_2, window_bounds = array<i64: 2000, 128>}, {pipeline_mode = #tpu.pipeline_mode<synchronous>, transform_indices = @transform_3, window_bounds = array<i64: 128, 128>}, {pipeline_mode = #tpu.pipeline_mode<synchronous>, transform_indices = @transform_4, window_bounds = array<i64: 1, 128>}, {pipeline_mode = #tpu.pipeline_mode<synchronous>, transform_indices = @transform_5, window_bounds = array<i64: 128, 128>}, {pipeline_mode = #tpu.pipeline_mode<synchronous>, transform_indices = @transform_6, window_bounds = array<i64: 1, 128>}, {transform_indices = @transform_7, window_bounds = array<i64: 2000, 128>}]} {
    %get3A = arith.constant 0 : index
    %get3A_0 = arith.constant 0 : index
    %get3A_1 = vector.load %arg3[%get3A, %get3A_0] : memref<2000x128xf32, #tpu.memory_space<vmem>>, vector<2000x128xf32>
    %get3A_2 = arith.constant 0 : index
    %get3A_3 = arith.constant 0 : index
    %get3A_4 = vector.load %arg1[%get3A_2, %get3A_3] : memref<2000x128xf32, #tpu.memory_space<vmem>>, vector<2000x128xf32>
    %get3A_5 = arith.constant 0 : index
    %get3A_6 = arith.constant 0 : index
    %get3A_7 = vector.load %arg2[%get3A_5, %get3A_6] : memref<2000x128xf32, #tpu.memory_space<vmem>>, vector<2000x128xf32>
    %add3A = arith.addf %get3A_4, %get3A_7 : vector<2000x128xf32>
    %add3A_8 = arith.addf %get3A_1, %add3A : vector<2000x128xf32>
    %get3A_9 = arith.constant 0 : index
    %get3A_10 = arith.constant 0 : index
    %get3A_11 = vector.load %arg4[%get3A_9, %get3A_10] : memref<128x128xf32, #tpu.memory_space<vmem>>, vector<128x128xf32>
    %dot_general3A = arith.constant dense<0.000000e+00> : vector<2000x128xf32>
    %dot_general3A_12 = tpu.matmul %add3A_8, %get3A_11, %dot_general3A {dimension_numbers = #tpu.dot_dimension_numbers<[1], [0], [0], [1], [0, 0, 1, 1], [], []>, transpose_lhs_hint = false} : vector<2000x128xf32>, vector<128x128xf32>, vector<2000x128xf32> -> vector<2000x128xf32>
    %get3A_13 = arith.constant 0 : index
    %get3A_14 = arith.constant 0 : index
    %get3A_15 = vector.load %arg5[%get3A_13, %get3A_14] : memref<1x128xf32, #tpu.memory_space<vmem>>, vector<1x128xf32>
    %add3A_16 = vector.broadcast %get3A_15 : vector<1x128xf32> to vector<2000x128xf32>
    %add3A_17 = arith.addf %dot_general3A_12, %add3A_16 : vector<2000x128xf32>
    %max3A = arith.constant 0.000000e+00 : f32
    %max3A_18 = vector.broadcast %max3A : f32 to vector<2000x128xf32>
    %max3A_19 = arith.maximumf %add3A_17, %max3A_18 : vector<2000x128xf32>
    %get3A_20 = arith.constant 0 : index
    %get3A_21 = arith.constant 0 : index
    %get3A_22 = vector.load %arg6[%get3A_20, %get3A_21] : memref<128x128xf32, #tpu.memory_space<vmem>>, vector<128x128xf32>
    %dot_general3A_23 = arith.constant dense<0.000000e+00> : vector<2000x128xf32>
    %dot_general3A_24 = tpu.matmul %max3A_19, %get3A_22, %dot_general3A_23 {dimension_numbers = #tpu.dot_dimension_numbers<[1], [0], [0], [1], [0, 0, 1, 1], [], []>, transpose_lhs_hint = false} : vector<2000x128xf32>, vector<128x128xf32>, vector<2000x128xf32> -> vector<2000x128xf32>
    %get3A_25 = arith.constant 0 : index
    %get3A_26 = arith.constant 0 : index
    %get3A_27 = vector.load %arg7[%get3A_25, %get3A_26] : memref<1x128xf32, #tpu.memory_space<vmem>>, vector<1x128xf32>
    %add3A_28 = vector.broadcast %get3A_27 : vector<1x128xf32> to vector<2000x128xf32>
    %add3A_29 = arith.addf %dot_general3A_24, %add3A_28 : vector<2000x128xf32>
    %max3A_30 = arith.constant 0.000000e+00 : f32
    %max3A_31 = vector.broadcast %max3A_30 : f32 to vector<2000x128xf32>
    %max3A_32 = arith.maximumf %add3A_29, %max3A_31 : vector<2000x128xf32>
    %swap3A = arith.constant 0 : index
    %swap3A_33 = arith.constant 0 : index
    %swap3A_34 = vector.load %arg8[%swap3A, %swap3A_33] : memref<2000x128xf32, #tpu.memory_space<vmem>>, vector<2000x128xf32>
    tpu.vector_store %arg8[%swap3A, %swap3A_33], %max3A_32 {strides = array<i32>} : memref<2000x128xf32, #tpu.memory_space<vmem>>, vector<2000x128xf32>,
    return
  }
  func.func @transform_0(%arg0: i32) -> (i32, i32) {
    %c0_i32 = arith.constant 0 : i32
    %c0_i32_0 = arith.constant 0 : i32
    return %arg0, %c0_i32 : i32, i32
  }
  func.func @transform_1(%arg0: i32) -> (i32, i32) {
    %c0_i32 = arith.constant 0 : i32
    %c0_i32_0 = arith.constant 0 : i32
    return %arg0, %c0_i32 : i32, i32
  }
  func.func @transform_2(%arg0: i32) -> (i32, i32) {
    %c0_i32 = arith.constant 0 : i32
    %c0_i32_0 = arith.constant 0 : i32
    return %arg0, %c0_i32 : i32, i32
  }
  func.func @transform_3(%arg0: i32) -> (i32, i32) {
    %c0_i32 = arith.constant 0 : i32
    %c0_i32_0 = arith.constant 0 : i32
    %c0_i32_1 = arith.constant 0 : i32
    return %c0_i32, %c0_i32_0 : i32, i32
  }
  func.func @transform_4(%arg0: i32) -> (i32, i32) {
    %c0_i32 = arith.constant 0 : i32
    %c0_i32_0 = arith.constant 0 : i32
    %c0_i32_1 = arith.constant 0 : i32
    return %c0_i32, %c0_i32_0 : i32, i32
  }
  func.func @transform_5(%arg0: i32) -> (i32, i32) {
    %c0_i32 = arith.constant 0 : i32
    %c0_i32_0 = arith.constant 0 : i32
    %c0_i32_1 = arith.constant 0 : i32
    return %c0_i32, %c0_i32_0 : i32, i32
  }
  func.func @transform_6(%arg0: i32) -> (i32, i32) {
    %c0_i32 = arith.constant 0 : i32
    %c0_i32_0 = arith.constant 0 : i32
    %c0_i32_1 = arith.constant 0 : i32
    return %c0_i32, %c0_i32_0 : i32, i32
  }
  func.func @transform_7(%arg0: i32) -> (i32, i32) {
    %c0_i32 = arith.constant 0 : i32
    %c0_i32_0 = arith.constant 0 : i32
    return %arg0, %c0_i32 : i32, i32
  }
}

module attributes {stable_mosaic.version = 14 : i64} {
  func.func @_pool_body(%arg0: i32, %arg1: memref<10000x128xf32, #tpu.memory_space<vmem>>, %arg2: memref<80x128xi32, #tpu.memory_space<vmem>>, %arg3: memref<128x128xf32, #tpu.memory_space<vmem>>, %arg4: memref<1x128xf32, #tpu.memory_space<vmem>>, %arg5: memref<128x1xf32, #tpu.memory_space<vmem>>, %arg6: memref<1x1xf32, #tpu.memory_space<vmem>>, %arg7: memref<8x1xf32, #tpu.memory_space<vmem>>) attributes {dimension_semantics = [#tpu.dimension_semantics<arbitrary>], iteration_bounds = array<i64: 8>, scalar_prefetch = 0 : i64, scratch_operands = 0 : i64, tpu.core_type = #tpu.core_type<tc>, window_params = [{pipeline_mode = #tpu.pipeline_mode<synchronous>, transform_indices = @transform_0, window_bounds = array<i64: 10000, 128>}, {pipeline_mode = #tpu.pipeline_mode<synchronous>, transform_indices = @transform_1, window_bounds = array<i64: 80, 128>}, {pipeline_mode = #tpu.pipeline_mode<synchronous>, transform_indices = @transform_2, window_bounds = array<i64: 128, 128>}, {pipeline_mode = #tpu.pipeline_mode<synchronous>, transform_indices = @transform_3, window_bounds = array<i64: 1, 128>}, {pipeline_mode = #tpu.pipeline_mode<synchronous>, transform_indices = @transform_4, window_bounds = array<i64: 128, 1>}, {pipeline_mode = #tpu.pipeline_mode<synchronous>, transform_indices = @transform_5, window_bounds = array<i64: 1, 1>}, {transform_indices = @transform_6, window_bounds = array<i64: 8, 1>}]} {
    %get3A = arith.constant 0 : index
    %get3A_0 = arith.constant 0 : index
    %get3A_1 = vector.load %arg2[%get3A, %get3A_0] : memref<80x128xi32, #tpu.memory_space<vmem>>, vector<80x128xi32>
    %mul3A = arith.constant 8 : i32
    %mul3A_2 = arith.muli %arg0, %mul3A : i32
    %add3A = arith.constant 0 : i32
    %add3A_3 = arith.addi %mul3A_2, %add3A : i32
    %lt3A = vector.broadcast %add3A_3 : i32 to vector<80x128xi32>
    %lt3A_4 = arith.cmpi slt, %get3A_1, %lt3A : vector<80x128xi32>
    %convert_element_type3A = arith.extui %lt3A_4 : vector<80x128xi1> to vector<80x128xi32>
    %reduce_sum3A = vector.shape_cast %convert_element_type3A : vector<80x128xi32> to vector<1x80x128xi32>
    %reduce_sum3A_5 = arith.constant dense<0> : vector<1xi32>
    %reduce_sum3A_6 = vector.multi_reduction <add>, %reduce_sum3A, %reduce_sum3A_5 [1, 2] : vector<1x80x128xi32> to vector<1xi32>
    %reduce_sum3A_7 = vector.shape_cast %reduce_sum3A_6 : vector<1xi32> to vector<1x1x1xi32>
    %reduce_sum3A_8 = vector.extract %reduce_sum3A_7[0, 0, 0] : i32 from vector<1x1x1xi32>
    %add3A_9 = arith.constant 1 : i32
    %add3A_10 = arith.addi %add3A_3, %add3A_9 : i32
    %lt3A_11 = vector.broadcast %add3A_10 : i32 to vector<80x128xi32>
    %lt3A_12 = arith.cmpi slt, %get3A_1, %lt3A_11 : vector<80x128xi32>
    %convert_element_type3A_13 = arith.extui %lt3A_12 : vector<80x128xi1> to vector<80x128xi32>
    %reduce_sum3A_14 = vector.shape_cast %convert_element_type3A_13 : vector<80x128xi32> to vector<1x80x128xi32>
    %reduce_sum3A_15 = arith.constant dense<0> : vector<1xi32>
    %reduce_sum3A_16 = vector.multi_reduction <add>, %reduce_sum3A_14, %reduce_sum3A_15 [1, 2] : vector<1x80x128xi32> to vector<1xi32>
    %reduce_sum3A_17 = vector.shape_cast %reduce_sum3A_16 : vector<1xi32> to vector<1x1x1xi32>
    %reduce_sum3A_18 = vector.extract %reduce_sum3A_17[0, 0, 0] : i32 from vector<1x1x1xi32>
    %sub3A = arith.subi %reduce_sum3A_18, %reduce_sum3A_8 : i32
    %add3A_19 = arith.constant 7 : i32
    %add3A_20 = arith.addi %sub3A, %add3A_19 : i32
    %jit3A = arith.constant 8 : i32
    %div3A = arith.divsi %add3A_20, %jit3A : i32
    %sign3A = arith.constant 0 : i32
    %sign3A_21 = arith.cmpi sgt, %add3A_20, %sign3A : i32
    %sign3A_22 = arith.extui %sign3A_21 : i1 to i32
    %sign3A_23 = arith.constant 0 : i32
    %sign3A_24 = arith.cmpi slt, %add3A_20, %sign3A_23 : i32
    %sign3A_25 = arith.extui %sign3A_24 : i1 to i32
    %sign3A_26 = arith.subi %sign3A_22, %sign3A_25 : i32
    %sign3A_27 = arith.constant 0 : i32
    %sign3A_28 = arith.cmpi sgt, %jit3A, %sign3A_27 : i32
    %sign3A_29 = arith.extui %sign3A_28 : i1 to i32
    %sign3A_30 = arith.constant 0 : i32
    %sign3A_31 = arith.cmpi slt, %jit3A, %sign3A_30 : i32
    %sign3A_32 = arith.extui %sign3A_31 : i1 to i32
    %sign3A_33 = arith.subi %sign3A_29, %sign3A_32 : i32
    %ne3A = arith.cmpi ne, %sign3A_26, %sign3A_33 : i32
    %rem3A = arith.remsi %add3A_20, %jit3A : i32
    %ne3A_34 = arith.constant 0 : i32
    %ne3A_35 = arith.cmpi ne, %rem3A, %ne3A_34 : i32
    %and3A = arith.andi %ne3A, %ne3A_35 : i1
    %sub3A_36 = arith.constant 1 : i32
    %sub3A_37 = arith.subi %div3A, %sub3A_36 : i32
    %select_n3A = arith.select %and3A, %sub3A_37, %div3A : i32
    %broadcast_in_dim3A = arith.constant 0xFF800000 : f32
    %broadcast_in_dim3A_38 = vector.broadcast %broadcast_in_dim3A : f32 to vector<8x128xf32>
    %while3A = arith.constant 0 : i32
    %while3A_39 = arith.subi %select_n3A, %while3A : i32
    %while3A_40 = arith.addi %while3A, %while3A_39 : i32
    %while3A_41 = arith.constant 1 : i32
    %while3A_42 = arith.divsi %while3A_39, %while3A_41 : i32
    %while3A_43 = arith.muli %while3A_42, %while3A_41 : i32
    %while3A_44 = arith.addi %while3A, %while3A_43 : i32
    %while3A_45 = arith.constant 1 : i32
    %while3A_46 = scf.for %while3A_529 = %while3A to %while3A_44 step %while3A_45 iter_args(%while3A_530 = %broadcast_in_dim3A_38) -> (vector<8x128xf32>)  : i32 {
      %mul3A_531 = arith.constant 8 : i32
      %mul3A_532 = arith.muli %while3A_529, %mul3A_531 : i32
      %add3A_533 = arith.addi %reduce_sum3A_8, %mul3A_532 : i32
      %min3A = arith.constant 9992 : i32
      %min3A_534 = arith.minsi %add3A_533, %min3A : i32
      %get3A_535 = arith.index_cast %min3A_534 : i32 to index
      %get3A_536 = arith.constant 0 : index
      %get3A_537 = vector.load %arg1[%get3A_535, %get3A_536] : memref<10000x128xf32, #tpu.memory_space<vmem>>, vector<8x128xf32>
      %iota3A = tpu.iota {dimensions = array<i32: 0>} : vector<8x128xi32>
      %add3A_538 = vector.broadcast %min3A_534 : i32 to vector<8x128xi32>
      %add3A_539 = arith.addi %add3A_538, %iota3A : vector<8x128xi32>
      %ge3A = vector.broadcast %reduce_sum3A_8 : i32 to vector<8x128xi32>
      %ge3A_540 = arith.cmpi sge, %add3A_539, %ge3A : vector<8x128xi32>
      %lt3A_541 = vector.broadcast %reduce_sum3A_18 : i32 to vector<8x128xi32>
      %lt3A_542 = arith.cmpi slt, %add3A_539, %lt3A_541 : vector<8x128xi32>
      %and3A_543 = arith.andi %ge3A_540, %lt3A_542 : vector<8x128xi1>
      %jit3A_544 = arith.constant 0xFF800000 : f32
      %broadcast_in_dim3A_545 = vector.broadcast %jit3A_544 : f32 to vector<8x128xf32>
      %select_n3A_546 = arith.select %and3A_543, %get3A_537, %broadcast_in_dim3A_545 : vector<8x128xi1>, vector<8x128xf32>
      %max3A_547 = arith.maximumf %while3A_530, %select_n3A_546 : vector<8x128xf32>
      scf.yield %max3A_547 : vector<8x128xf32>
    }
    %while3A_47 = arith.constant 1 : i32
    %while3A_48 = scf.for %while3A_529 = %while3A_44 to %while3A_40 step %while3A_47 iter_args(%while3A_530 = %while3A_46) -> (vector<8x128xf32>)  : i32 {
      %mul3A_531 = arith.constant 8 : i32
      %mul3A_532 = arith.muli %while3A_529, %mul3A_531 : i32
      %add3A_533 = arith.addi %reduce_sum3A_8, %mul3A_532 : i32
      %min3A = arith.constant 9992 : i32
      %min3A_534 = arith.minsi %add3A_533, %min3A : i32
      %get3A_535 = arith.index_cast %min3A_534 : i32 to index
      %get3A_536 = arith.constant 0 : index
      %get3A_537 = vector.load %arg1[%get3A_535, %get3A_536] : memref<10000x128xf32, #tpu.memory_space<vmem>>, vector<8x128xf32>
      %iota3A = tpu.iota {dimensions = array<i32: 0>} : vector<8x128xi32>
      %add3A_538 = vector.broadcast %min3A_534 : i32 to vector<8x128xi32>
      %add3A_539 = arith.addi %add3A_538, %iota3A : vector<8x128xi32>
      %ge3A = vector.broadcast %reduce_sum3A_8 : i32 to vector<8x128xi32>
      %ge3A_540 = arith.cmpi sge, %add3A_539, %ge3A : vector<8x128xi32>
      %lt3A_541 = vector.broadcast %reduce_sum3A_18 : i32 to vector<8x128xi32>
      %lt3A_542 = arith.cmpi slt, %add3A_539, %lt3A_541 : vector<8x128xi32>
      %and3A_543 = arith.andi %ge3A_540, %lt3A_542 : vector<8x128xi1>
      %jit3A_544 = arith.constant 0xFF800000 : f32
      %broadcast_in_dim3A_545 = vector.broadcast %jit3A_544 : f32 to vector<8x128xf32>
      %select_n3A_546 = arith.select %and3A_543, %get3A_537, %broadcast_in_dim3A_545 : vector<8x128xi1>, vector<8x128xf32>
      %max3A_547 = arith.maximumf %while3A_530, %select_n3A_546 : vector<8x128xf32>
      scf.yield %max3A_547 : vector<8x128xf32>
    }
    %reduce_max3A = arith.constant dense<0xFF800000> : vector<128xf32>
    %reduce_max3A_49 = vector.multi_reduction <maximumf>, %while3A_48, %reduce_max3A [0] : vector<8x128xf32> to vector<128xf32>
    %broadcast_in_dim3A_50 = vector.shape_cast %reduce_max3A_49 : vector<128xf32> to vector<1x128xf32>
    %mul3A_51 = arith.constant 8 : i32
    %mul3A_52 = arith.muli %arg0, %mul3A_51 : i32
    %add3A_53 = arith.constant 1 : i32
    %add3A_54 = arith.addi %mul3A_52, %add3A_53 : i32
    %lt3A_55 = vector.broadcast %add3A_54 : i32 to vector<80x128xi32>
    %lt3A_56 = arith.cmpi slt, %get3A_1, %lt3A_55 : vector<80x128xi32>
    %convert_element_type3A_57 = arith.extui %lt3A_56 : vector<80x128xi1> to vector<80x128xi32>
    %reduce_sum3A_58 = vector.shape_cast %convert_element_type3A_57 : vector<80x128xi32> to vector<1x80x128xi32>
    %reduce_sum3A_59 = arith.constant dense<0> : vector<1xi32>
    %reduce_sum3A_60 = vector.multi_reduction <add>, %reduce_sum3A_58, %reduce_sum3A_59 [1, 2] : vector<1x80x128xi32> to vector<1xi32>
    %reduce_sum3A_61 = vector.shape_cast %reduce_sum3A_60 : vector<1xi32> to vector<1x1x1xi32>
    %reduce_sum3A_62 = vector.extract %reduce_sum3A_61[0, 0, 0] : i32 from vector<1x1x1xi32>
    %add3A_63 = arith.constant 1 : i32
    %add3A_64 = arith.addi %add3A_54, %add3A_63 : i32
    %lt3A_65 = vector.broadcast %add3A_64 : i32 to vector<80x128xi32>
    %lt3A_66 = arith.cmpi slt, %get3A_1, %lt3A_65 : vector<80x128xi32>
    %convert_element_type3A_67 = arith.extui %lt3A_66 : vector<80x128xi1> to vector<80x128xi32>
    %reduce_sum3A_68 = vector.shape_cast %convert_element_type3A_67 : vector<80x128xi32> to vector<1x80x128xi32>
    %reduce_sum3A_69 = arith.constant dense<0> : vector<1xi32>
    %reduce_sum3A_70 = vector.multi_reduction <add>, %reduce_sum3A_68, %reduce_sum3A_69 [1, 2] : vector<1x80x128xi32> to vector<1xi32>
    %reduce_sum3A_71 = vector.shape_cast %reduce_sum3A_70 : vector<1xi32> to vector<1x1x1xi32>
    %reduce_sum3A_72 = vector.extract %reduce_sum3A_71[0, 0, 0] : i32 from vector<1x1x1xi32>
    %sub3A_73 = arith.subi %reduce_sum3A_72, %reduce_sum3A_62 : i32
    %add3A_74 = arith.constant 7 : i32
    %add3A_75 = arith.addi %sub3A_73, %add3A_74 : i32
    %jit3A_76 = arith.constant 8 : i32
    %div3A_77 = arith.divsi %add3A_75, %jit3A_76 : i32
    %sign3A_78 = arith.constant 0 : i32
    %sign3A_79 = arith.cmpi sgt, %add3A_75, %sign3A_78 : i32
    %sign3A_80 = arith.extui %sign3A_79 : i1 to i32
    %sign3A_81 = arith.constant 0 : i32
    %sign3A_82 = arith.cmpi slt, %add3A_75, %sign3A_81 : i32
    %sign3A_83 = arith.extui %sign3A_82 : i1 to i32
    %sign3A_84 = arith.subi %sign3A_80, %sign3A_83 : i32
    %sign3A_85 = arith.constant 0 : i32
    %sign3A_86 = arith.cmpi sgt, %jit3A_76, %sign3A_85 : i32
    %sign3A_87 = arith.extui %sign3A_86 : i1 to i32
    %sign3A_88 = arith.constant 0 : i32
    %sign3A_89 = arith.cmpi slt, %jit3A_76, %sign3A_88 : i32
    %sign3A_90 = arith.extui %sign3A_89 : i1 to i32
    %sign3A_91 = arith.subi %sign3A_87, %sign3A_90 : i32
    %ne3A_92 = arith.cmpi ne, %sign3A_84, %sign3A_91 : i32
    %rem3A_93 = arith.remsi %add3A_75, %jit3A_76 : i32
    %ne3A_94 = arith.constant 0 : i32
    %ne3A_95 = arith.cmpi ne, %rem3A_93, %ne3A_94 : i32
    %and3A_96 = arith.andi %ne3A_92, %ne3A_95 : i1
    %sub3A_97 = arith.constant 1 : i32
    %sub3A_98 = arith.subi %div3A_77, %sub3A_97 : i32
    %select_n3A_99 = arith.select %and3A_96, %sub3A_98, %div3A_77 : i32
    %broadcast_in_dim3A_100 = arith.constant 0xFF800000 : f32
    %broadcast_in_dim3A_101 = vector.broadcast %broadcast_in_dim3A_100 : f32 to vector<8x128xf32>
    %while3A_102 = arith.constant 0 : i32
    %while3A_103 = arith.subi %select_n3A_99, %while3A_102 : i32
    %while3A_104 = arith.addi %while3A_102, %while3A_103 : i32
    %while3A_105 = arith.constant 1 : i32
    %while3A_106 = arith.divsi %while3A_103, %while3A_105 : i32
    %while3A_107 = arith.muli %while3A_106, %while3A_105 : i32
    %while3A_108 = arith.addi %while3A_102, %while3A_107 : i32
    %while3A_109 = arith.constant 1 : i32
    %while3A_110 = scf.for %while3A_529 = %while3A_102 to %while3A_108 step %while3A_109 iter_args(%while3A_530 = %broadcast_in_dim3A_101) -> (vector<8x128xf32>)  : i32 {
      %mul3A_531 = arith.constant 8 : i32
      %mul3A_532 = arith.muli %while3A_529, %mul3A_531 : i32
      %add3A_533 = arith.addi %reduce_sum3A_62, %mul3A_532 : i32
      %min3A = arith.constant 9992 : i32
      %min3A_534 = arith.minsi %add3A_533, %min3A : i32
      %get3A_535 = arith.index_cast %min3A_534 : i32 to index
      %get3A_536 = arith.constant 0 : index
      %get3A_537 = vector.load %arg1[%get3A_535, %get3A_536] : memref<10000x128xf32, #tpu.memory_space<vmem>>, vector<8x128xf32>
      %iota3A = tpu.iota {dimensions = array<i32: 0>} : vector<8x128xi32>
      %add3A_538 = vector.broadcast %min3A_534 : i32 to vector<8x128xi32>
      %add3A_539 = arith.addi %add3A_538, %iota3A : vector<8x128xi32>
      %ge3A = vector.broadcast %reduce_sum3A_62 : i32 to vector<8x128xi32>
      %ge3A_540 = arith.cmpi sge, %add3A_539, %ge3A : vector<8x128xi32>
      %lt3A_541 = vector.broadcast %reduce_sum3A_72 : i32 to vector<8x128xi32>
      %lt3A_542 = arith.cmpi slt, %add3A_539, %lt3A_541 : vector<8x128xi32>
      %and3A_543 = arith.andi %ge3A_540, %lt3A_542 : vector<8x128xi1>
      %jit3A_544 = arith.constant 0xFF800000 : f32
      %broadcast_in_dim3A_545 = vector.broadcast %jit3A_544 : f32 to vector<8x128xf32>
      %select_n3A_546 = arith.select %and3A_543, %get3A_537, %broadcast_in_dim3A_545 : vector<8x128xi1>, vector<8x128xf32>
      %max3A_547 = arith.maximumf %while3A_530, %select_n3A_546 : vector<8x128xf32>
      scf.yield %max3A_547 : vector<8x128xf32>
    }
    %while3A_111 = arith.constant 1 : i32
    %while3A_112 = scf.for %while3A_529 = %while3A_108 to %while3A_104 step %while3A_111 iter_args(%while3A_530 = %while3A_110) -> (vector<8x128xf32>)  : i32 {
      %mul3A_531 = arith.constant 8 : i32
      %mul3A_532 = arith.muli %while3A_529, %mul3A_531 : i32
      %add3A_533 = arith.addi %reduce_sum3A_62, %mul3A_532 : i32
      %min3A = arith.constant 9992 : i32
      %min3A_534 = arith.minsi %add3A_533, %min3A : i32
      %get3A_535 = arith.index_cast %min3A_534 : i32 to index
      %get3A_536 = arith.constant 0 : index
      %get3A_537 = vector.load %arg1[%get3A_535, %get3A_536] : memref<10000x128xf32, #tpu.memory_space<vmem>>, vector<8x128xf32>
      %iota3A = tpu.iota {dimensions = array<i32: 0>} : vector<8x128xi32>
      %add3A_538 = vector.broadcast %min3A_534 : i32 to vector<8x128xi32>
      %add3A_539 = arith.addi %add3A_538, %iota3A : vector<8x128xi32>
      %ge3A = vector.broadcast %reduce_sum3A_62 : i32 to vector<8x128xi32>
      %ge3A_540 = arith.cmpi sge, %add3A_539, %ge3A : vector<8x128xi32>
      %lt3A_541 = vector.broadcast %reduce_sum3A_72 : i32 to vector<8x128xi32>
      %lt3A_542 = arith.cmpi slt, %add3A_539, %lt3A_541 : vector<8x128xi32>
      %and3A_543 = arith.andi %ge3A_540, %lt3A_542 : vector<8x128xi1>
      %jit3A_544 = arith.constant 0xFF800000 : f32
      %broadcast_in_dim3A_545 = vector.broadcast %jit3A_544 : f32 to vector<8x128xf32>
      %select_n3A_546 = arith.select %and3A_543, %get3A_537, %broadcast_in_dim3A_545 : vector<8x128xi1>, vector<8x128xf32>
      %max3A_547 = arith.maximumf %while3A_530, %select_n3A_546 : vector<8x128xf32>
      scf.yield %max3A_547 : vector<8x128xf32>
    }
    %reduce_max3A_113 = arith.constant dense<0xFF800000> : vector<128xf32>
    %reduce_max3A_114 = vector.multi_reduction <maximumf>, %while3A_112, %reduce_max3A_113 [0] : vector<8x128xf32> to vector<128xf32>
    %broadcast_in_dim3A_115 = vector.shape_cast %reduce_max3A_114 : vector<128xf32> to vector<1x128xf32>
    %mul3A_116 = arith.constant 8 : i32
    %mul3A_117 = arith.muli %arg0, %mul3A_116 : i32
    %add3A_118 = arith.constant 2 : i32
    %add3A_119 = arith.addi %mul3A_117, %add3A_118 : i32
    %lt3A_120 = vector.broadcast %add3A_119 : i32 to vector<80x128xi32>
    %lt3A_121 = arith.cmpi slt, %get3A_1, %lt3A_120 : vector<80x128xi32>
    %convert_element_type3A_122 = arith.extui %lt3A_121 : vector<80x128xi1> to vector<80x128xi32>
    %reduce_sum3A_123 = vector.shape_cast %convert_element_type3A_122 : vector<80x128xi32> to vector<1x80x128xi32>
    %reduce_sum3A_124 = arith.constant dense<0> : vector<1xi32>
    %reduce_sum3A_125 = vector.multi_reduction <add>, %reduce_sum3A_123, %reduce_sum3A_124 [1, 2] : vector<1x80x128xi32> to vector<1xi32>
    %reduce_sum3A_126 = vector.shape_cast %reduce_sum3A_125 : vector<1xi32> to vector<1x1x1xi32>
    %reduce_sum3A_127 = vector.extract %reduce_sum3A_126[0, 0, 0] : i32 from vector<1x1x1xi32>
    %add3A_128 = arith.constant 1 : i32
    %add3A_129 = arith.addi %add3A_119, %add3A_128 : i32
    %lt3A_130 = vector.broadcast %add3A_129 : i32 to vector<80x128xi32>
    %lt3A_131 = arith.cmpi slt, %get3A_1, %lt3A_130 : vector<80x128xi32>
    %convert_element_type3A_132 = arith.extui %lt3A_131 : vector<80x128xi1> to vector<80x128xi32>
    %reduce_sum3A_133 = vector.shape_cast %convert_element_type3A_132 : vector<80x128xi32> to vector<1x80x128xi32>
    %reduce_sum3A_134 = arith.constant dense<0> : vector<1xi32>
    %reduce_sum3A_135 = vector.multi_reduction <add>, %reduce_sum3A_133, %reduce_sum3A_134 [1, 2] : vector<1x80x128xi32> to vector<1xi32>
    %reduce_sum3A_136 = vector.shape_cast %reduce_sum3A_135 : vector<1xi32> to vector<1x1x1xi32>
    %reduce_sum3A_137 = vector.extract %reduce_sum3A_136[0, 0, 0] : i32 from vector<1x1x1xi32>
    %sub3A_138 = arith.subi %reduce_sum3A_137, %reduce_sum3A_127 : i32
    %add3A_139 = arith.constant 7 : i32
    %add3A_140 = arith.addi %sub3A_138, %add3A_139 : i32
    %jit3A_141 = arith.constant 8 : i32
    %div3A_142 = arith.divsi %add3A_140, %jit3A_141 : i32
    %sign3A_143 = arith.constant 0 : i32
    %sign3A_144 = arith.cmpi sgt, %add3A_140, %sign3A_143 : i32
    %sign3A_145 = arith.extui %sign3A_144 : i1 to i32
    %sign3A_146 = arith.constant 0 : i32
    %sign3A_147 = arith.cmpi slt, %add3A_140, %sign3A_146 : i32
    %sign3A_148 = arith.extui %sign3A_147 : i1 to i32
    %sign3A_149 = arith.subi %sign3A_145, %sign3A_148 : i32
    %sign3A_150 = arith.constant 0 : i32
    %sign3A_151 = arith.cmpi sgt, %jit3A_141, %sign3A_150 : i32
    %sign3A_152 = arith.extui %sign3A_151 : i1 to i32
    %sign3A_153 = arith.constant 0 : i32
    %sign3A_154 = arith.cmpi slt, %jit3A_141, %sign3A_153 : i32
    %sign3A_155 = arith.extui %sign3A_154 : i1 to i32
    %sign3A_156 = arith.subi %sign3A_152, %sign3A_155 : i32
    %ne3A_157 = arith.cmpi ne, %sign3A_149, %sign3A_156 : i32
    %rem3A_158 = arith.remsi %add3A_140, %jit3A_141 : i32
    %ne3A_159 = arith.constant 0 : i32
    %ne3A_160 = arith.cmpi ne, %rem3A_158, %ne3A_159 : i32
    %and3A_161 = arith.andi %ne3A_157, %ne3A_160 : i1
    %sub3A_162 = arith.constant 1 : i32
    %sub3A_163 = arith.subi %div3A_142, %sub3A_162 : i32
    %select_n3A_164 = arith.select %and3A_161, %sub3A_163, %div3A_142 : i32
    %broadcast_in_dim3A_165 = arith.constant 0xFF800000 : f32
    %broadcast_in_dim3A_166 = vector.broadcast %broadcast_in_dim3A_165 : f32 to vector<8x128xf32>
    %while3A_167 = arith.constant 0 : i32
    %while3A_168 = arith.subi %select_n3A_164, %while3A_167 : i32
    %while3A_169 = arith.addi %while3A_167, %while3A_168 : i32
    %while3A_170 = arith.constant 1 : i32
    %while3A_171 = arith.divsi %while3A_168, %while3A_170 : i32
    %while3A_172 = arith.muli %while3A_171, %while3A_170 : i32
    %while3A_173 = arith.addi %while3A_167, %while3A_172 : i32
    %while3A_174 = arith.constant 1 : i32
    %while3A_175 = scf.for %while3A_529 = %while3A_167 to %while3A_173 step %while3A_174 iter_args(%while3A_530 = %broadcast_in_dim3A_166) -> (vector<8x128xf32>)  : i32 {
      %mul3A_531 = arith.constant 8 : i32
      %mul3A_532 = arith.muli %while3A_529, %mul3A_531 : i32
      %add3A_533 = arith.addi %reduce_sum3A_127, %mul3A_532 : i32
      %min3A = arith.constant 9992 : i32
      %min3A_534 = arith.minsi %add3A_533, %min3A : i32
      %get3A_535 = arith.index_cast %min3A_534 : i32 to index
      %get3A_536 = arith.constant 0 : index
      %get3A_537 = vector.load %arg1[%get3A_535, %get3A_536] : memref<10000x128xf32, #tpu.memory_space<vmem>>, vector<8x128xf32>
      %iota3A = tpu.iota {dimensions = array<i32: 0>} : vector<8x128xi32>
      %add3A_538 = vector.broadcast %min3A_534 : i32 to vector<8x128xi32>
      %add3A_539 = arith.addi %add3A_538, %iota3A : vector<8x128xi32>
      %ge3A = vector.broadcast %reduce_sum3A_127 : i32 to vector<8x128xi32>
      %ge3A_540 = arith.cmpi sge, %add3A_539, %ge3A : vector<8x128xi32>
      %lt3A_541 = vector.broadcast %reduce_sum3A_137 : i32 to vector<8x128xi32>
      %lt3A_542 = arith.cmpi slt, %add3A_539, %lt3A_541 : vector<8x128xi32>
      %and3A_543 = arith.andi %ge3A_540, %lt3A_542 : vector<8x128xi1>
      %jit3A_544 = arith.constant 0xFF800000 : f32
      %broadcast_in_dim3A_545 = vector.broadcast %jit3A_544 : f32 to vector<8x128xf32>
      %select_n3A_546 = arith.select %and3A_543, %get3A_537, %broadcast_in_dim3A_545 : vector<8x128xi1>, vector<8x128xf32>
      %max3A_547 = arith.maximumf %while3A_530, %select_n3A_546 : vector<8x128xf32>
      scf.yield %max3A_547 : vector<8x128xf32>
    }
    %while3A_176 = arith.constant 1 : i32
    %while3A_177 = scf.for %while3A_529 = %while3A_173 to %while3A_169 step %while3A_176 iter_args(%while3A_530 = %while3A_175) -> (vector<8x128xf32>)  : i32 {
      %mul3A_531 = arith.constant 8 : i32
      %mul3A_532 = arith.muli %while3A_529, %mul3A_531 : i32
      %add3A_533 = arith.addi %reduce_sum3A_127, %mul3A_532 : i32
      %min3A = arith.constant 9992 : i32
      %min3A_534 = arith.minsi %add3A_533, %min3A : i32
      %get3A_535 = arith.index_cast %min3A_534 : i32 to index
      %get3A_536 = arith.constant 0 : index
      %get3A_537 = vector.load %arg1[%get3A_535, %get3A_536] : memref<10000x128xf32, #tpu.memory_space<vmem>>, vector<8x128xf32>
      %iota3A = tpu.iota {dimensions = array<i32: 0>} : vector<8x128xi32>
      %add3A_538 = vector.broadcast %min3A_534 : i32 to vector<8x128xi32>
      %add3A_539 = arith.addi %add3A_538, %iota3A : vector<8x128xi32>
      %ge3A = vector.broadcast %reduce_sum3A_127 : i32 to vector<8x128xi32>
      %ge3A_540 = arith.cmpi sge, %add3A_539, %ge3A : vector<8x128xi32>
      %lt3A_541 = vector.broadcast %reduce_sum3A_137 : i32 to vector<8x128xi32>
      %lt3A_542 = arith.cmpi slt, %add3A_539, %lt3A_541 : vector<8x128xi32>
      %and3A_543 = arith.andi %ge3A_540, %lt3A_542 : vector<8x128xi1>
      %jit3A_544 = arith.constant 0xFF800000 : f32
      %broadcast_in_dim3A_545 = vector.broadcast %jit3A_544 : f32 to vector<8x128xf32>
      %select_n3A_546 = arith.select %and3A_543, %get3A_537, %broadcast_in_dim3A_545 : vector<8x128xi1>, vector<8x128xf32>
      %max3A_547 = arith.maximumf %while3A_530, %select_n3A_546 : vector<8x128xf32>
      scf.yield %max3A_547 : vector<8x128xf32>
    }
    %reduce_max3A_178 = arith.constant dense<0xFF800000> : vector<128xf32>
    %reduce_max3A_179 = vector.multi_reduction <maximumf>, %while3A_177, %reduce_max3A_178 [0] : vector<8x128xf32> to vector<128xf32>
    %broadcast_in_dim3A_180 = vector.shape_cast %reduce_max3A_179 : vector<128xf32> to vector<1x128xf32>
    %mul3A_181 = arith.constant 8 : i32
    %mul3A_182 = arith.muli %arg0, %mul3A_181 : i32
    %add3A_183 = arith.constant 3 : i32
    %add3A_184 = arith.addi %mul3A_182, %add3A_183 : i32
    %lt3A_185 = vector.broadcast %add3A_184 : i32 to vector<80x128xi32>
    %lt3A_186 = arith.cmpi slt, %get3A_1, %lt3A_185 : vector<80x128xi32>
    %convert_element_type3A_187 = arith.extui %lt3A_186 : vector<80x128xi1> to vector<80x128xi32>
    %reduce_sum3A_188 = vector.shape_cast %convert_element_type3A_187 : vector<80x128xi32> to vector<1x80x128xi32>
    %reduce_sum3A_189 = arith.constant dense<0> : vector<1xi32>
    %reduce_sum3A_190 = vector.multi_reduction <add>, %reduce_sum3A_188, %reduce_sum3A_189 [1, 2] : vector<1x80x128xi32> to vector<1xi32>
    %reduce_sum3A_191 = vector.shape_cast %reduce_sum3A_190 : vector<1xi32> to vector<1x1x1xi32>
    %reduce_sum3A_192 = vector.extract %reduce_sum3A_191[0, 0, 0] : i32 from vector<1x1x1xi32>
    %add3A_193 = arith.constant 1 : i32
    %add3A_194 = arith.addi %add3A_184, %add3A_193 : i32
    %lt3A_195 = vector.broadcast %add3A_194 : i32 to vector<80x128xi32>
    %lt3A_196 = arith.cmpi slt, %get3A_1, %lt3A_195 : vector<80x128xi32>
    %convert_element_type3A_197 = arith.extui %lt3A_196 : vector<80x128xi1> to vector<80x128xi32>
    %reduce_sum3A_198 = vector.shape_cast %convert_element_type3A_197 : vector<80x128xi32> to vector<1x80x128xi32>
    %reduce_sum3A_199 = arith.constant dense<0> : vector<1xi32>
    %reduce_sum3A_200 = vector.multi_reduction <add>, %reduce_sum3A_198, %reduce_sum3A_199 [1, 2] : vector<1x80x128xi32> to vector<1xi32>
    %reduce_sum3A_201 = vector.shape_cast %reduce_sum3A_200 : vector<1xi32> to vector<1x1x1xi32>
    %reduce_sum3A_202 = vector.extract %reduce_sum3A_201[0, 0, 0] : i32 from vector<1x1x1xi32>
    %sub3A_203 = arith.subi %reduce_sum3A_202, %reduce_sum3A_192 : i32
    %add3A_204 = arith.constant 7 : i32
    %add3A_205 = arith.addi %sub3A_203, %add3A_204 : i32
    %jit3A_206 = arith.constant 8 : i32
    %div3A_207 = arith.divsi %add3A_205, %jit3A_206 : i32
    %sign3A_208 = arith.constant 0 : i32
    %sign3A_209 = arith.cmpi sgt, %add3A_205, %sign3A_208 : i32
    %sign3A_210 = arith.extui %sign3A_209 : i1 to i32
    %sign3A_211 = arith.constant 0 : i32
    %sign3A_212 = arith.cmpi slt, %add3A_205, %sign3A_211 : i32
    %sign3A_213 = arith.extui %sign3A_212 : i1 to i32
    %sign3A_214 = arith.subi %sign3A_210, %sign3A_213 : i32
    %sign3A_215 = arith.constant 0 : i32
    %sign3A_216 = arith.cmpi sgt, %jit3A_206, %sign3A_215 : i32
    %sign3A_217 = arith.extui %sign3A_216 : i1 to i32
    %sign3A_218 = arith.constant 0 : i32
    %sign3A_219 = arith.cmpi slt, %jit3A_206, %sign3A_218 : i32
    %sign3A_220 = arith.extui %sign3A_219 : i1 to i32
    %sign3A_221 = arith.subi %sign3A_217, %sign3A_220 : i32
    %ne3A_222 = arith.cmpi ne, %sign3A_214, %sign3A_221 : i32
    %rem3A_223 = arith.remsi %add3A_205, %jit3A_206 : i32
    %ne3A_224 = arith.constant 0 : i32
    %ne3A_225 = arith.cmpi ne, %rem3A_223, %ne3A_224 : i32
    %and3A_226 = arith.andi %ne3A_222, %ne3A_225 : i1
    %sub3A_227 = arith.constant 1 : i32
    %sub3A_228 = arith.subi %div3A_207, %sub3A_227 : i32
    %select_n3A_229 = arith.select %and3A_226, %sub3A_228, %div3A_207 : i32
    %broadcast_in_dim3A_230 = arith.constant 0xFF800000 : f32
    %broadcast_in_dim3A_231 = vector.broadcast %broadcast_in_dim3A_230 : f32 to vector<8x128xf32>
    %while3A_232 = arith.constant 0 : i32
    %while3A_233 = arith.subi %select_n3A_229, %while3A_232 : i32
    %while3A_234 = arith.addi %while3A_232, %while3A_233 : i32
    %while3A_235 = arith.constant 1 : i32
    %while3A_236 = arith.divsi %while3A_233, %while3A_235 : i32
    %while3A_237 = arith.muli %while3A_236, %while3A_235 : i32
    %while3A_238 = arith.addi %while3A_232, %while3A_237 : i32
    %while3A_239 = arith.constant 1 : i32
    %while3A_240 = scf.for %while3A_529 = %while3A_232 to %while3A_238 step %while3A_239 iter_args(%while3A_530 = %broadcast_in_dim3A_231) -> (vector<8x128xf32>)  : i32 {
      %mul3A_531 = arith.constant 8 : i32
      %mul3A_532 = arith.muli %while3A_529, %mul3A_531 : i32
      %add3A_533 = arith.addi %reduce_sum3A_192, %mul3A_532 : i32
      %min3A = arith.constant 9992 : i32
      %min3A_534 = arith.minsi %add3A_533, %min3A : i32
      %get3A_535 = arith.index_cast %min3A_534 : i32 to index
      %get3A_536 = arith.constant 0 : index
      %get3A_537 = vector.load %arg1[%get3A_535, %get3A_536] : memref<10000x128xf32, #tpu.memory_space<vmem>>, vector<8x128xf32>
      %iota3A = tpu.iota {dimensions = array<i32: 0>} : vector<8x128xi32>
      %add3A_538 = vector.broadcast %min3A_534 : i32 to vector<8x128xi32>
      %add3A_539 = arith.addi %add3A_538, %iota3A : vector<8x128xi32>
      %ge3A = vector.broadcast %reduce_sum3A_192 : i32 to vector<8x128xi32>
      %ge3A_540 = arith.cmpi sge, %add3A_539, %ge3A : vector<8x128xi32>
      %lt3A_541 = vector.broadcast %reduce_sum3A_202 : i32 to vector<8x128xi32>
      %lt3A_542 = arith.cmpi slt, %add3A_539, %lt3A_541 : vector<8x128xi32>
      %and3A_543 = arith.andi %ge3A_540, %lt3A_542 : vector<8x128xi1>
      %jit3A_544 = arith.constant 0xFF800000 : f32
      %broadcast_in_dim3A_545 = vector.broadcast %jit3A_544 : f32 to vector<8x128xf32>
      %select_n3A_546 = arith.select %and3A_543, %get3A_537, %broadcast_in_dim3A_545 : vector<8x128xi1>, vector<8x128xf32>
      %max3A_547 = arith.maximumf %while3A_530, %select_n3A_546 : vector<8x128xf32>
      scf.yield %max3A_547 : vector<8x128xf32>
    }
    %while3A_241 = arith.constant 1 : i32
    %while3A_242 = scf.for %while3A_529 = %while3A_238 to %while3A_234 step %while3A_241 iter_args(%while3A_530 = %while3A_240) -> (vector<8x128xf32>)  : i32 {
      %mul3A_531 = arith.constant 8 : i32
      %mul3A_532 = arith.muli %while3A_529, %mul3A_531 : i32
      %add3A_533 = arith.addi %reduce_sum3A_192, %mul3A_532 : i32
      %min3A = arith.constant 9992 : i32
      %min3A_534 = arith.minsi %add3A_533, %min3A : i32
      %get3A_535 = arith.index_cast %min3A_534 : i32 to index
      %get3A_536 = arith.constant 0 : index
      %get3A_537 = vector.load %arg1[%get3A_535, %get3A_536] : memref<10000x128xf32, #tpu.memory_space<vmem>>, vector<8x128xf32>
      %iota3A = tpu.iota {dimensions = array<i32: 0>} : vector<8x128xi32>
      %add3A_538 = vector.broadcast %min3A_534 : i32 to vector<8x128xi32>
      %add3A_539 = arith.addi %add3A_538, %iota3A : vector<8x128xi32>
      %ge3A = vector.broadcast %reduce_sum3A_192 : i32 to vector<8x128xi32>
      %ge3A_540 = arith.cmpi sge, %add3A_539, %ge3A : vector<8x128xi32>
      %lt3A_541 = vector.broadcast %reduce_sum3A_202 : i32 to vector<8x128xi32>
      %lt3A_542 = arith.cmpi slt, %add3A_539, %lt3A_541 : vector<8x128xi32>
      %and3A_543 = arith.andi %ge3A_540, %lt3A_542 : vector<8x128xi1>
      %jit3A_544 = arith.constant 0xFF800000 : f32
      %broadcast_in_dim3A_545 = vector.broadcast %jit3A_544 : f32 to vector<8x128xf32>
      %select_n3A_546 = arith.select %and3A_543, %get3A_537, %broadcast_in_dim3A_545 : vector<8x128xi1>, vector<8x128xf32>
      %max3A_547 = arith.maximumf %while3A_530, %select_n3A_546 : vector<8x128xf32>
      scf.yield %max3A_547 : vector<8x128xf32>
    }
    %reduce_max3A_243 = arith.constant dense<0xFF800000> : vector<128xf32>
    %reduce_max3A_244 = vector.multi_reduction <maximumf>, %while3A_242, %reduce_max3A_243 [0] : vector<8x128xf32> to vector<128xf32>
    %broadcast_in_dim3A_245 = vector.shape_cast %reduce_max3A_244 : vector<128xf32> to vector<1x128xf32>
    %mul3A_246 = arith.constant 8 : i32
    %mul3A_247 = arith.muli %arg0, %mul3A_246 : i32
    %add3A_248 = arith.constant 4 : i32
    %add3A_249 = arith.addi %mul3A_247, %add3A_248 : i32
    %lt3A_250 = vector.broadcast %add3A_249 : i32 to vector<80x128xi32>
    %lt3A_251 = arith.cmpi slt, %get3A_1, %lt3A_250 : vector<80x128xi32>
    %convert_element_type3A_252 = arith.extui %lt3A_251 : vector<80x128xi1> to vector<80x128xi32>
    %reduce_sum3A_253 = vector.shape_cast %convert_element_type3A_252 : vector<80x128xi32> to vector<1x80x128xi32>
    %reduce_sum3A_254 = arith.constant dense<0> : vector<1xi32>
    %reduce_sum3A_255 = vector.multi_reduction <add>, %reduce_sum3A_253, %reduce_sum3A_254 [1, 2] : vector<1x80x128xi32> to vector<1xi32>
    %reduce_sum3A_256 = vector.shape_cast %reduce_sum3A_255 : vector<1xi32> to vector<1x1x1xi32>
    %reduce_sum3A_257 = vector.extract %reduce_sum3A_256[0, 0, 0] : i32 from vector<1x1x1xi32>
    %add3A_258 = arith.constant 1 : i32
    %add3A_259 = arith.addi %add3A_249, %add3A_258 : i32
    %lt3A_260 = vector.broadcast %add3A_259 : i32 to vector<80x128xi32>
    %lt3A_261 = arith.cmpi slt, %get3A_1, %lt3A_260 : vector<80x128xi32>
    %convert_element_type3A_262 = arith.extui %lt3A_261 : vector<80x128xi1> to vector<80x128xi32>
    %reduce_sum3A_263 = vector.shape_cast %convert_element_type3A_262 : vector<80x128xi32> to vector<1x80x128xi32>
    %reduce_sum3A_264 = arith.constant dense<0> : vector<1xi32>
    %reduce_sum3A_265 = vector.multi_reduction <add>, %reduce_sum3A_263, %reduce_sum3A_264 [1, 2] : vector<1x80x128xi32> to vector<1xi32>
    %reduce_sum3A_266 = vector.shape_cast %reduce_sum3A_265 : vector<1xi32> to vector<1x1x1xi32>
    %reduce_sum3A_267 = vector.extract %reduce_sum3A_266[0, 0, 0] : i32 from vector<1x1x1xi32>
    %sub3A_268 = arith.subi %reduce_sum3A_267, %reduce_sum3A_257 : i32
    %add3A_269 = arith.constant 7 : i32
    %add3A_270 = arith.addi %sub3A_268, %add3A_269 : i32
    %jit3A_271 = arith.constant 8 : i32
    %div3A_272 = arith.divsi %add3A_270, %jit3A_271 : i32
    %sign3A_273 = arith.constant 0 : i32
    %sign3A_274 = arith.cmpi sgt, %add3A_270, %sign3A_273 : i32
    %sign3A_275 = arith.extui %sign3A_274 : i1 to i32
    %sign3A_276 = arith.constant 0 : i32
    %sign3A_277 = arith.cmpi slt, %add3A_270, %sign3A_276 : i32
    %sign3A_278 = arith.extui %sign3A_277 : i1 to i32
    %sign3A_279 = arith.subi %sign3A_275, %sign3A_278 : i32
    %sign3A_280 = arith.constant 0 : i32
    %sign3A_281 = arith.cmpi sgt, %jit3A_271, %sign3A_280 : i32
    %sign3A_282 = arith.extui %sign3A_281 : i1 to i32
    %sign3A_283 = arith.constant 0 : i32
    %sign3A_284 = arith.cmpi slt, %jit3A_271, %sign3A_283 : i32
    %sign3A_285 = arith.extui %sign3A_284 : i1 to i32
    %sign3A_286 = arith.subi %sign3A_282, %sign3A_285 : i32
    %ne3A_287 = arith.cmpi ne, %sign3A_279, %sign3A_286 : i32
    %rem3A_288 = arith.remsi %add3A_270, %jit3A_271 : i32
    %ne3A_289 = arith.constant 0 : i32
    %ne3A_290 = arith.cmpi ne, %rem3A_288, %ne3A_289 : i32
    %and3A_291 = arith.andi %ne3A_287, %ne3A_290 : i1
    %sub3A_292 = arith.constant 1 : i32
    %sub3A_293 = arith.subi %div3A_272, %sub3A_292 : i32
    %select_n3A_294 = arith.select %and3A_291, %sub3A_293, %div3A_272 : i32
    %broadcast_in_dim3A_295 = arith.constant 0xFF800000 : f32
    %broadcast_in_dim3A_296 = vector.broadcast %broadcast_in_dim3A_295 : f32 to vector<8x128xf32>
    %while3A_297 = arith.constant 0 : i32
    %while3A_298 = arith.subi %select_n3A_294, %while3A_297 : i32
    %while3A_299 = arith.addi %while3A_297, %while3A_298 : i32
    %while3A_300 = arith.constant 1 : i32
    %while3A_301 = arith.divsi %while3A_298, %while3A_300 : i32
    %while3A_302 = arith.muli %while3A_301, %while3A_300 : i32
    %while3A_303 = arith.addi %while3A_297, %while3A_302 : i32
    %while3A_304 = arith.constant 1 : i32
    %while3A_305 = scf.for %while3A_529 = %while3A_297 to %while3A_303 step %while3A_304 iter_args(%while3A_530 = %broadcast_in_dim3A_296) -> (vector<8x128xf32>)  : i32 {
      %mul3A_531 = arith.constant 8 : i32
      %mul3A_532 = arith.muli %while3A_529, %mul3A_531 : i32
      %add3A_533 = arith.addi %reduce_sum3A_257, %mul3A_532 : i32
      %min3A = arith.constant 9992 : i32
      %min3A_534 = arith.minsi %add3A_533, %min3A : i32
      %get3A_535 = arith.index_cast %min3A_534 : i32 to index
      %get3A_536 = arith.constant 0 : index
      %get3A_537 = vector.load %arg1[%get3A_535, %get3A_536] : memref<10000x128xf32, #tpu.memory_space<vmem>>, vector<8x128xf32>
      %iota3A = tpu.iota {dimensions = array<i32: 0>} : vector<8x128xi32>
      %add3A_538 = vector.broadcast %min3A_534 : i32 to vector<8x128xi32>
      %add3A_539 = arith.addi %add3A_538, %iota3A : vector<8x128xi32>
      %ge3A = vector.broadcast %reduce_sum3A_257 : i32 to vector<8x128xi32>
      %ge3A_540 = arith.cmpi sge, %add3A_539, %ge3A : vector<8x128xi32>
      %lt3A_541 = vector.broadcast %reduce_sum3A_267 : i32 to vector<8x128xi32>
      %lt3A_542 = arith.cmpi slt, %add3A_539, %lt3A_541 : vector<8x128xi32>
      %and3A_543 = arith.andi %ge3A_540, %lt3A_542 : vector<8x128xi1>
      %jit3A_544 = arith.constant 0xFF800000 : f32
      %broadcast_in_dim3A_545 = vector.broadcast %jit3A_544 : f32 to vector<8x128xf32>
      %select_n3A_546 = arith.select %and3A_543, %get3A_537, %broadcast_in_dim3A_545 : vector<8x128xi1>, vector<8x128xf32>
      %max3A_547 = arith.maximumf %while3A_530, %select_n3A_546 : vector<8x128xf32>
      scf.yield %max3A_547 : vector<8x128xf32>
    }
    %while3A_306 = arith.constant 1 : i32
    %while3A_307 = scf.for %while3A_529 = %while3A_303 to %while3A_299 step %while3A_306 iter_args(%while3A_530 = %while3A_305) -> (vector<8x128xf32>)  : i32 {
      %mul3A_531 = arith.constant 8 : i32
      %mul3A_532 = arith.muli %while3A_529, %mul3A_531 : i32
      %add3A_533 = arith.addi %reduce_sum3A_257, %mul3A_532 : i32
      %min3A = arith.constant 9992 : i32
      %min3A_534 = arith.minsi %add3A_533, %min3A : i32
      %get3A_535 = arith.index_cast %min3A_534 : i32 to index
      %get3A_536 = arith.constant 0 : index
      %get3A_537 = vector.load %arg1[%get3A_535, %get3A_536] : memref<10000x128xf32, #tpu.memory_space<vmem>>, vector<8x128xf32>
      %iota3A = tpu.iota {dimensions = array<i32: 0>} : vector<8x128xi32>
      %add3A_538 = vector.broadcast %min3A_534 : i32 to vector<8x128xi32>
      %add3A_539 = arith.addi %add3A_538, %iota3A : vector<8x128xi32>
      %ge3A = vector.broadcast %reduce_sum3A_257 : i32 to vector<8x128xi32>
      %ge3A_540 = arith.cmpi sge, %add3A_539, %ge3A : vector<8x128xi32>
      %lt3A_541 = vector.broadcast %reduce_sum3A_267 : i32 to vector<8x128xi32>
      %lt3A_542 = arith.cmpi slt, %add3A_539, %lt3A_541 : vector<8x128xi32>
      %and3A_543 = arith.andi %ge3A_540, %lt3A_542 : vector<8x128xi1>
      %jit3A_544 = arith.constant 0xFF800000 : f32
      %broadcast_in_dim3A_545 = vector.broadcast %jit3A_544 : f32 to vector<8x128xf32>
      %select_n3A_546 = arith.select %and3A_543, %get3A_537, %broadcast_in_dim3A_545 : vector<8x128xi1>, vector<8x128xf32>
      %max3A_547 = arith.maximumf %while3A_530, %select_n3A_546 : vector<8x128xf32>
      scf.yield %max3A_547 : vector<8x128xf32>
    }
    %reduce_max3A_308 = arith.constant dense<0xFF800000> : vector<128xf32>
    %reduce_max3A_309 = vector.multi_reduction <maximumf>, %while3A_307, %reduce_max3A_308 [0] : vector<8x128xf32> to vector<128xf32>
    %broadcast_in_dim3A_310 = vector.shape_cast %reduce_max3A_309 : vector<128xf32> to vector<1x128xf32>
    %mul3A_311 = arith.constant 8 : i32
    %mul3A_312 = arith.muli %arg0, %mul3A_311 : i32
    %add3A_313 = arith.constant 5 : i32
    %add3A_314 = arith.addi %mul3A_312, %add3A_313 : i32
    %lt3A_315 = vector.broadcast %add3A_314 : i32 to vector<80x128xi32>
    %lt3A_316 = arith.cmpi slt, %get3A_1, %lt3A_315 : vector<80x128xi32>
    %convert_element_type3A_317 = arith.extui %lt3A_316 : vector<80x128xi1> to vector<80x128xi32>
    %reduce_sum3A_318 = vector.shape_cast %convert_element_type3A_317 : vector<80x128xi32> to vector<1x80x128xi32>
    %reduce_sum3A_319 = arith.constant dense<0> : vector<1xi32>
    %reduce_sum3A_320 = vector.multi_reduction <add>, %reduce_sum3A_318, %reduce_sum3A_319 [1, 2] : vector<1x80x128xi32> to vector<1xi32>
    %reduce_sum3A_321 = vector.shape_cast %reduce_sum3A_320 : vector<1xi32> to vector<1x1x1xi32>
    %reduce_sum3A_322 = vector.extract %reduce_sum3A_321[0, 0, 0] : i32 from vector<1x1x1xi32>
    %add3A_323 = arith.constant 1 : i32
    %add3A_324 = arith.addi %add3A_314, %add3A_323 : i32
    %lt3A_325 = vector.broadcast %add3A_324 : i32 to vector<80x128xi32>
    %lt3A_326 = arith.cmpi slt, %get3A_1, %lt3A_325 : vector<80x128xi32>
    %convert_element_type3A_327 = arith.extui %lt3A_326 : vector<80x128xi1> to vector<80x128xi32>
    %reduce_sum3A_328 = vector.shape_cast %convert_element_type3A_327 : vector<80x128xi32> to vector<1x80x128xi32>
    %reduce_sum3A_329 = arith.constant dense<0> : vector<1xi32>
    %reduce_sum3A_330 = vector.multi_reduction <add>, %reduce_sum3A_328, %reduce_sum3A_329 [1, 2] : vector<1x80x128xi32> to vector<1xi32>
    %reduce_sum3A_331 = vector.shape_cast %reduce_sum3A_330 : vector<1xi32> to vector<1x1x1xi32>
    %reduce_sum3A_332 = vector.extract %reduce_sum3A_331[0, 0, 0] : i32 from vector<1x1x1xi32>
    %sub3A_333 = arith.subi %reduce_sum3A_332, %reduce_sum3A_322 : i32
    %add3A_334 = arith.constant 7 : i32
    %add3A_335 = arith.addi %sub3A_333, %add3A_334 : i32
    %jit3A_336 = arith.constant 8 : i32
    %div3A_337 = arith.divsi %add3A_335, %jit3A_336 : i32
    %sign3A_338 = arith.constant 0 : i32
    %sign3A_339 = arith.cmpi sgt, %add3A_335, %sign3A_338 : i32
    %sign3A_340 = arith.extui %sign3A_339 : i1 to i32
    %sign3A_341 = arith.constant 0 : i32
    %sign3A_342 = arith.cmpi slt, %add3A_335, %sign3A_341 : i32
    %sign3A_343 = arith.extui %sign3A_342 : i1 to i32
    %sign3A_344 = arith.subi %sign3A_340, %sign3A_343 : i32
    %sign3A_345 = arith.constant 0 : i32
    %sign3A_346 = arith.cmpi sgt, %jit3A_336, %sign3A_345 : i32
    %sign3A_347 = arith.extui %sign3A_346 : i1 to i32
    %sign3A_348 = arith.constant 0 : i32
    %sign3A_349 = arith.cmpi slt, %jit3A_336, %sign3A_348 : i32
    %sign3A_350 = arith.extui %sign3A_349 : i1 to i32
    %sign3A_351 = arith.subi %sign3A_347, %sign3A_350 : i32
    %ne3A_352 = arith.cmpi ne, %sign3A_344, %sign3A_351 : i32
    %rem3A_353 = arith.remsi %add3A_335, %jit3A_336 : i32
    %ne3A_354 = arith.constant 0 : i32
    %ne3A_355 = arith.cmpi ne, %rem3A_353, %ne3A_354 : i32
    %and3A_356 = arith.andi %ne3A_352, %ne3A_355 : i1
    %sub3A_357 = arith.constant 1 : i32
    %sub3A_358 = arith.subi %div3A_337, %sub3A_357 : i32
    %select_n3A_359 = arith.select %and3A_356, %sub3A_358, %div3A_337 : i32
    %broadcast_in_dim3A_360 = arith.constant 0xFF800000 : f32
    %broadcast_in_dim3A_361 = vector.broadcast %broadcast_in_dim3A_360 : f32 to vector<8x128xf32>
    %while3A_362 = arith.constant 0 : i32
    %while3A_363 = arith.subi %select_n3A_359, %while3A_362 : i32
    %while3A_364 = arith.addi %while3A_362, %while3A_363 : i32
    %while3A_365 = arith.constant 1 : i32
    %while3A_366 = arith.divsi %while3A_363, %while3A_365 : i32
    %while3A_367 = arith.muli %while3A_366, %while3A_365 : i32
    %while3A_368 = arith.addi %while3A_362, %while3A_367 : i32
    %while3A_369 = arith.constant 1 : i32
    %while3A_370 = scf.for %while3A_529 = %while3A_362 to %while3A_368 step %while3A_369 iter_args(%while3A_530 = %broadcast_in_dim3A_361) -> (vector<8x128xf32>)  : i32 {
      %mul3A_531 = arith.constant 8 : i32
      %mul3A_532 = arith.muli %while3A_529, %mul3A_531 : i32
      %add3A_533 = arith.addi %reduce_sum3A_322, %mul3A_532 : i32
      %min3A = arith.constant 9992 : i32
      %min3A_534 = arith.minsi %add3A_533, %min3A : i32
      %get3A_535 = arith.index_cast %min3A_534 : i32 to index
      %get3A_536 = arith.constant 0 : index
      %get3A_537 = vector.load %arg1[%get3A_535, %get3A_536] : memref<10000x128xf32, #tpu.memory_space<vmem>>, vector<8x128xf32>
      %iota3A = tpu.iota {dimensions = array<i32: 0>} : vector<8x128xi32>
      %add3A_538 = vector.broadcast %min3A_534 : i32 to vector<8x128xi32>
      %add3A_539 = arith.addi %add3A_538, %iota3A : vector<8x128xi32>
      %ge3A = vector.broadcast %reduce_sum3A_322 : i32 to vector<8x128xi32>
      %ge3A_540 = arith.cmpi sge, %add3A_539, %ge3A : vector<8x128xi32>
      %lt3A_541 = vector.broadcast %reduce_sum3A_332 : i32 to vector<8x128xi32>
      %lt3A_542 = arith.cmpi slt, %add3A_539, %lt3A_541 : vector<8x128xi32>
      %and3A_543 = arith.andi %ge3A_540, %lt3A_542 : vector<8x128xi1>
      %jit3A_544 = arith.constant 0xFF800000 : f32
      %broadcast_in_dim3A_545 = vector.broadcast %jit3A_544 : f32 to vector<8x128xf32>
      %select_n3A_546 = arith.select %and3A_543, %get3A_537, %broadcast_in_dim3A_545 : vector<8x128xi1>, vector<8x128xf32>
      %max3A_547 = arith.maximumf %while3A_530, %select_n3A_546 : vector<8x128xf32>
      scf.yield %max3A_547 : vector<8x128xf32>
    }
    %while3A_371 = arith.constant 1 : i32
    %while3A_372 = scf.for %while3A_529 = %while3A_368 to %while3A_364 step %while3A_371 iter_args(%while3A_530 = %while3A_370) -> (vector<8x128xf32>)  : i32 {
      %mul3A_531 = arith.constant 8 : i32
      %mul3A_532 = arith.muli %while3A_529, %mul3A_531 : i32
      %add3A_533 = arith.addi %reduce_sum3A_322, %mul3A_532 : i32
      %min3A = arith.constant 9992 : i32
      %min3A_534 = arith.minsi %add3A_533, %min3A : i32
      %get3A_535 = arith.index_cast %min3A_534 : i32 to index
      %get3A_536 = arith.constant 0 : index
      %get3A_537 = vector.load %arg1[%get3A_535, %get3A_536] : memref<10000x128xf32, #tpu.memory_space<vmem>>, vector<8x128xf32>
      %iota3A = tpu.iota {dimensions = array<i32: 0>} : vector<8x128xi32>
      %add3A_538 = vector.broadcast %min3A_534 : i32 to vector<8x128xi32>
      %add3A_539 = arith.addi %add3A_538, %iota3A : vector<8x128xi32>
      %ge3A = vector.broadcast %reduce_sum3A_322 : i32 to vector<8x128xi32>
      %ge3A_540 = arith.cmpi sge, %add3A_539, %ge3A : vector<8x128xi32>
      %lt3A_541 = vector.broadcast %reduce_sum3A_332 : i32 to vector<8x128xi32>
      %lt3A_542 = arith.cmpi slt, %add3A_539, %lt3A_541 : vector<8x128xi32>
      %and3A_543 = arith.andi %ge3A_540, %lt3A_542 : vector<8x128xi1>
      %jit3A_544 = arith.constant 0xFF800000 : f32
      %broadcast_in_dim3A_545 = vector.broadcast %jit3A_544 : f32 to vector<8x128xf32>
      %select_n3A_546 = arith.select %and3A_543, %get3A_537, %broadcast_in_dim3A_545 : vector<8x128xi1>, vector<8x128xf32>
      %max3A_547 = arith.maximumf %while3A_530, %select_n3A_546 : vector<8x128xf32>
      scf.yield %max3A_547 : vector<8x128xf32>
    }
    %reduce_max3A_373 = arith.constant dense<0xFF800000> : vector<128xf32>
    %reduce_max3A_374 = vector.multi_reduction <maximumf>, %while3A_372, %reduce_max3A_373 [0] : vector<8x128xf32> to vector<128xf32>
    %broadcast_in_dim3A_375 = vector.shape_cast %reduce_max3A_374 : vector<128xf32> to vector<1x128xf32>
    %mul3A_376 = arith.constant 8 : i32
    %mul3A_377 = arith.muli %arg0, %mul3A_376 : i32
    %add3A_378 = arith.constant 6 : i32
    %add3A_379 = arith.addi %mul3A_377, %add3A_378 : i32
    %lt3A_380 = vector.broadcast %add3A_379 : i32 to vector<80x128xi32>
    %lt3A_381 = arith.cmpi slt, %get3A_1, %lt3A_380 : vector<80x128xi32>
    %convert_element_type3A_382 = arith.extui %lt3A_381 : vector<80x128xi1> to vector<80x128xi32>
    %reduce_sum3A_383 = vector.shape_cast %convert_element_type3A_382 : vector<80x128xi32> to vector<1x80x128xi32>
    %reduce_sum3A_384 = arith.constant dense<0> : vector<1xi32>
    %reduce_sum3A_385 = vector.multi_reduction <add>, %reduce_sum3A_383, %reduce_sum3A_384 [1, 2] : vector<1x80x128xi32> to vector<1xi32>
    %reduce_sum3A_386 = vector.shape_cast %reduce_sum3A_385 : vector<1xi32> to vector<1x1x1xi32>
    %reduce_sum3A_387 = vector.extract %reduce_sum3A_386[0, 0, 0] : i32 from vector<1x1x1xi32>
    %add3A_388 = arith.constant 1 : i32
    %add3A_389 = arith.addi %add3A_379, %add3A_388 : i32
    %lt3A_390 = vector.broadcast %add3A_389 : i32 to vector<80x128xi32>
    %lt3A_391 = arith.cmpi slt, %get3A_1, %lt3A_390 : vector<80x128xi32>
    %convert_element_type3A_392 = arith.extui %lt3A_391 : vector<80x128xi1> to vector<80x128xi32>
    %reduce_sum3A_393 = vector.shape_cast %convert_element_type3A_392 : vector<80x128xi32> to vector<1x80x128xi32>
    %reduce_sum3A_394 = arith.constant dense<0> : vector<1xi32>
    %reduce_sum3A_395 = vector.multi_reduction <add>, %reduce_sum3A_393, %reduce_sum3A_394 [1, 2] : vector<1x80x128xi32> to vector<1xi32>
    %reduce_sum3A_396 = vector.shape_cast %reduce_sum3A_395 : vector<1xi32> to vector<1x1x1xi32>
    %reduce_sum3A_397 = vector.extract %reduce_sum3A_396[0, 0, 0] : i32 from vector<1x1x1xi32>
    %sub3A_398 = arith.subi %reduce_sum3A_397, %reduce_sum3A_387 : i32
    %add3A_399 = arith.constant 7 : i32
    %add3A_400 = arith.addi %sub3A_398, %add3A_399 : i32
    %jit3A_401 = arith.constant 8 : i32
    %div3A_402 = arith.divsi %add3A_400, %jit3A_401 : i32
    %sign3A_403 = arith.constant 0 : i32
    %sign3A_404 = arith.cmpi sgt, %add3A_400, %sign3A_403 : i32
    %sign3A_405 = arith.extui %sign3A_404 : i1 to i32
    %sign3A_406 = arith.constant 0 : i32
    %sign3A_407 = arith.cmpi slt, %add3A_400, %sign3A_406 : i32
    %sign3A_408 = arith.extui %sign3A_407 : i1 to i32
    %sign3A_409 = arith.subi %sign3A_405, %sign3A_408 : i32
    %sign3A_410 = arith.constant 0 : i32
    %sign3A_411 = arith.cmpi sgt, %jit3A_401, %sign3A_410 : i32
    %sign3A_412 = arith.extui %sign3A_411 : i1 to i32
    %sign3A_413 = arith.constant 0 : i32
    %sign3A_414 = arith.cmpi slt, %jit3A_401, %sign3A_413 : i32
    %sign3A_415 = arith.extui %sign3A_414 : i1 to i32
    %sign3A_416 = arith.subi %sign3A_412, %sign3A_415 : i32
    %ne3A_417 = arith.cmpi ne, %sign3A_409, %sign3A_416 : i32
    %rem3A_418 = arith.remsi %add3A_400, %jit3A_401 : i32
    %ne3A_419 = arith.constant 0 : i32
    %ne3A_420 = arith.cmpi ne, %rem3A_418, %ne3A_419 : i32
    %and3A_421 = arith.andi %ne3A_417, %ne3A_420 : i1
    %sub3A_422 = arith.constant 1 : i32
    %sub3A_423 = arith.subi %div3A_402, %sub3A_422 : i32
    %select_n3A_424 = arith.select %and3A_421, %sub3A_423, %div3A_402 : i32
    %broadcast_in_dim3A_425 = arith.constant 0xFF800000 : f32
    %broadcast_in_dim3A_426 = vector.broadcast %broadcast_in_dim3A_425 : f32 to vector<8x128xf32>
    %while3A_427 = arith.constant 0 : i32
    %while3A_428 = arith.subi %select_n3A_424, %while3A_427 : i32
    %while3A_429 = arith.addi %while3A_427, %while3A_428 : i32
    %while3A_430 = arith.constant 1 : i32
    %while3A_431 = arith.divsi %while3A_428, %while3A_430 : i32
    %while3A_432 = arith.muli %while3A_431, %while3A_430 : i32
    %while3A_433 = arith.addi %while3A_427, %while3A_432 : i32
    %while3A_434 = arith.constant 1 : i32
    %while3A_435 = scf.for %while3A_529 = %while3A_427 to %while3A_433 step %while3A_434 iter_args(%while3A_530 = %broadcast_in_dim3A_426) -> (vector<8x128xf32>)  : i32 {
      %mul3A_531 = arith.constant 8 : i32
      %mul3A_532 = arith.muli %while3A_529, %mul3A_531 : i32
      %add3A_533 = arith.addi %reduce_sum3A_387, %mul3A_532 : i32
      %min3A = arith.constant 9992 : i32
      %min3A_534 = arith.minsi %add3A_533, %min3A : i32
      %get3A_535 = arith.index_cast %min3A_534 : i32 to index
      %get3A_536 = arith.constant 0 : index
      %get3A_537 = vector.load %arg1[%get3A_535, %get3A_536] : memref<10000x128xf32, #tpu.memory_space<vmem>>, vector<8x128xf32>
      %iota3A = tpu.iota {dimensions = array<i32: 0>} : vector<8x128xi32>
      %add3A_538 = vector.broadcast %min3A_534 : i32 to vector<8x128xi32>
      %add3A_539 = arith.addi %add3A_538, %iota3A : vector<8x128xi32>
      %ge3A = vector.broadcast %reduce_sum3A_387 : i32 to vector<8x128xi32>
      %ge3A_540 = arith.cmpi sge, %add3A_539, %ge3A : vector<8x128xi32>
      %lt3A_541 = vector.broadcast %reduce_sum3A_397 : i32 to vector<8x128xi32>
      %lt3A_542 = arith.cmpi slt, %add3A_539, %lt3A_541 : vector<8x128xi32>
      %and3A_543 = arith.andi %ge3A_540, %lt3A_542 : vector<8x128xi1>
      %jit3A_544 = arith.constant 0xFF800000 : f32
      %broadcast_in_dim3A_545 = vector.broadcast %jit3A_544 : f32 to vector<8x128xf32>
      %select_n3A_546 = arith.select %and3A_543, %get3A_537, %broadcast_in_dim3A_545 : vector<8x128xi1>, vector<8x128xf32>
      %max3A_547 = arith.maximumf %while3A_530, %select_n3A_546 : vector<8x128xf32>
      scf.yield %max3A_547 : vector<8x128xf32>
    }
    %while3A_436 = arith.constant 1 : i32
    %while3A_437 = scf.for %while3A_529 = %while3A_433 to %while3A_429 step %while3A_436 iter_args(%while3A_530 = %while3A_435) -> (vector<8x128xf32>)  : i32 {
      %mul3A_531 = arith.constant 8 : i32
      %mul3A_532 = arith.muli %while3A_529, %mul3A_531 : i32
      %add3A_533 = arith.addi %reduce_sum3A_387, %mul3A_532 : i32
      %min3A = arith.constant 9992 : i32
      %min3A_534 = arith.minsi %add3A_533, %min3A : i32
      %get3A_535 = arith.index_cast %min3A_534 : i32 to index
      %get3A_536 = arith.constant 0 : index
      %get3A_537 = vector.load %arg1[%get3A_535, %get3A_536] : memref<10000x128xf32, #tpu.memory_space<vmem>>, vector<8x128xf32>
      %iota3A = tpu.iota {dimensions = array<i32: 0>} : vector<8x128xi32>
      %add3A_538 = vector.broadcast %min3A_534 : i32 to vector<8x128xi32>
      %add3A_539 = arith.addi %add3A_538, %iota3A : vector<8x128xi32>
      %ge3A = vector.broadcast %reduce_sum3A_387 : i32 to vector<8x128xi32>
      %ge3A_540 = arith.cmpi sge, %add3A_539, %ge3A : vector<8x128xi32>
      %lt3A_541 = vector.broadcast %reduce_sum3A_397 : i32 to vector<8x128xi32>
      %lt3A_542 = arith.cmpi slt, %add3A_539, %lt3A_541 : vector<8x128xi32>
      %and3A_543 = arith.andi %ge3A_540, %lt3A_542 : vector<8x128xi1>
      %jit3A_544 = arith.constant 0xFF800000 : f32
      %broadcast_in_dim3A_545 = vector.broadcast %jit3A_544 : f32 to vector<8x128xf32>
      %select_n3A_546 = arith.select %and3A_543, %get3A_537, %broadcast_in_dim3A_545 : vector<8x128xi1>, vector<8x128xf32>
      %max3A_547 = arith.maximumf %while3A_530, %select_n3A_546 : vector<8x128xf32>
      scf.yield %max3A_547 : vector<8x128xf32>
    }
    %reduce_max3A_438 = arith.constant dense<0xFF800000> : vector<128xf32>
    %reduce_max3A_439 = vector.multi_reduction <maximumf>, %while3A_437, %reduce_max3A_438 [0] : vector<8x128xf32> to vector<128xf32>
    %broadcast_in_dim3A_440 = vector.shape_cast %reduce_max3A_439 : vector<128xf32> to vector<1x128xf32>
    %mul3A_441 = arith.constant 8 : i32
    %mul3A_442 = arith.muli %arg0, %mul3A_441 : i32
    %add3A_443 = arith.constant 7 : i32
    %add3A_444 = arith.addi %mul3A_442, %add3A_443 : i32
    %lt3A_445 = vector.broadcast %add3A_444 : i32 to vector<80x128xi32>
    %lt3A_446 = arith.cmpi slt, %get3A_1, %lt3A_445 : vector<80x128xi32>
    %convert_element_type3A_447 = arith.extui %lt3A_446 : vector<80x128xi1> to vector<80x128xi32>
    %reduce_sum3A_448 = vector.shape_cast %convert_element_type3A_447 : vector<80x128xi32> to vector<1x80x128xi32>
    %reduce_sum3A_449 = arith.constant dense<0> : vector<1xi32>
    %reduce_sum3A_450 = vector.multi_reduction <add>, %reduce_sum3A_448, %reduce_sum3A_449 [1, 2] : vector<1x80x128xi32> to vector<1xi32>
    %reduce_sum3A_451 = vector.shape_cast %reduce_sum3A_450 : vector<1xi32> to vector<1x1x1xi32>
    %reduce_sum3A_452 = vector.extract %reduce_sum3A_451[0, 0, 0] : i32 from vector<1x1x1xi32>
    %add3A_453 = arith.constant 1 : i32
    %add3A_454 = arith.addi %add3A_444, %add3A_453 : i32
    %lt3A_455 = vector.broadcast %add3A_454 : i32 to vector<80x128xi32>
    %lt3A_456 = arith.cmpi slt, %get3A_1, %lt3A_455 : vector<80x128xi32>
    %convert_element_type3A_457 = arith.extui %lt3A_456 : vector<80x128xi1> to vector<80x128xi32>
    %reduce_sum3A_458 = vector.shape_cast %convert_element_type3A_457 : vector<80x128xi32> to vector<1x80x128xi32>
    %reduce_sum3A_459 = arith.constant dense<0> : vector<1xi32>
    %reduce_sum3A_460 = vector.multi_reduction <add>, %reduce_sum3A_458, %reduce_sum3A_459 [1, 2] : vector<1x80x128xi32> to vector<1xi32>
    %reduce_sum3A_461 = vector.shape_cast %reduce_sum3A_460 : vector<1xi32> to vector<1x1x1xi32>
    %reduce_sum3A_462 = vector.extract %reduce_sum3A_461[0, 0, 0] : i32 from vector<1x1x1xi32>
    %sub3A_463 = arith.subi %reduce_sum3A_462, %reduce_sum3A_452 : i32
    %add3A_464 = arith.constant 7 : i32
    %add3A_465 = arith.addi %sub3A_463, %add3A_464 : i32
    %jit3A_466 = arith.constant 8 : i32
    %div3A_467 = arith.divsi %add3A_465, %jit3A_466 : i32
    %sign3A_468 = arith.constant 0 : i32
    %sign3A_469 = arith.cmpi sgt, %add3A_465, %sign3A_468 : i32
    %sign3A_470 = arith.extui %sign3A_469 : i1 to i32
    %sign3A_471 = arith.constant 0 : i32
    %sign3A_472 = arith.cmpi slt, %add3A_465, %sign3A_471 : i32
    %sign3A_473 = arith.extui %sign3A_472 : i1 to i32
    %sign3A_474 = arith.subi %sign3A_470, %sign3A_473 : i32
    %sign3A_475 = arith.constant 0 : i32
    %sign3A_476 = arith.cmpi sgt, %jit3A_466, %sign3A_475 : i32
    %sign3A_477 = arith.extui %sign3A_476 : i1 to i32
    %sign3A_478 = arith.constant 0 : i32
    %sign3A_479 = arith.cmpi slt, %jit3A_466, %sign3A_478 : i32
    %sign3A_480 = arith.extui %sign3A_479 : i1 to i32
    %sign3A_481 = arith.subi %sign3A_477, %sign3A_480 : i32
    %ne3A_482 = arith.cmpi ne, %sign3A_474, %sign3A_481 : i32
    %rem3A_483 = arith.remsi %add3A_465, %jit3A_466 : i32
    %ne3A_484 = arith.constant 0 : i32
    %ne3A_485 = arith.cmpi ne, %rem3A_483, %ne3A_484 : i32
    %and3A_486 = arith.andi %ne3A_482, %ne3A_485 : i1
    %sub3A_487 = arith.constant 1 : i32
    %sub3A_488 = arith.subi %div3A_467, %sub3A_487 : i32
    %select_n3A_489 = arith.select %and3A_486, %sub3A_488, %div3A_467 : i32
    %broadcast_in_dim3A_490 = arith.constant 0xFF800000 : f32
    %broadcast_in_dim3A_491 = vector.broadcast %broadcast_in_dim3A_490 : f32 to vector<8x128xf32>
    %while3A_492 = arith.constant 0 : i32
    %while3A_493 = arith.subi %select_n3A_489, %while3A_492 : i32
    %while3A_494 = arith.addi %while3A_492, %while3A_493 : i32
    %while3A_495 = arith.constant 1 : i32
    %while3A_496 = arith.divsi %while3A_493, %while3A_495 : i32
    %while3A_497 = arith.muli %while3A_496, %while3A_495 : i32
    %while3A_498 = arith.addi %while3A_492, %while3A_497 : i32
    %while3A_499 = arith.constant 1 : i32
    %while3A_500 = scf.for %while3A_529 = %while3A_492 to %while3A_498 step %while3A_499 iter_args(%while3A_530 = %broadcast_in_dim3A_491) -> (vector<8x128xf32>)  : i32 {
      %mul3A_531 = arith.constant 8 : i32
      %mul3A_532 = arith.muli %while3A_529, %mul3A_531 : i32
      %add3A_533 = arith.addi %reduce_sum3A_452, %mul3A_532 : i32
      %min3A = arith.constant 9992 : i32
      %min3A_534 = arith.minsi %add3A_533, %min3A : i32
      %get3A_535 = arith.index_cast %min3A_534 : i32 to index
      %get3A_536 = arith.constant 0 : index
      %get3A_537 = vector.load %arg1[%get3A_535, %get3A_536] : memref<10000x128xf32, #tpu.memory_space<vmem>>, vector<8x128xf32>
      %iota3A = tpu.iota {dimensions = array<i32: 0>} : vector<8x128xi32>
      %add3A_538 = vector.broadcast %min3A_534 : i32 to vector<8x128xi32>
      %add3A_539 = arith.addi %add3A_538, %iota3A : vector<8x128xi32>
      %ge3A = vector.broadcast %reduce_sum3A_452 : i32 to vector<8x128xi32>
      %ge3A_540 = arith.cmpi sge, %add3A_539, %ge3A : vector<8x128xi32>
      %lt3A_541 = vector.broadcast %reduce_sum3A_462 : i32 to vector<8x128xi32>
      %lt3A_542 = arith.cmpi slt, %add3A_539, %lt3A_541 : vector<8x128xi32>
      %and3A_543 = arith.andi %ge3A_540, %lt3A_542 : vector<8x128xi1>
      %jit3A_544 = arith.constant 0xFF800000 : f32
      %broadcast_in_dim3A_545 = vector.broadcast %jit3A_544 : f32 to vector<8x128xf32>
      %select_n3A_546 = arith.select %and3A_543, %get3A_537, %broadcast_in_dim3A_545 : vector<8x128xi1>, vector<8x128xf32>
      %max3A_547 = arith.maximumf %while3A_530, %select_n3A_546 : vector<8x128xf32>
      scf.yield %max3A_547 : vector<8x128xf32>
    }
    %while3A_501 = arith.constant 1 : i32
    %while3A_502 = scf.for %while3A_529 = %while3A_498 to %while3A_494 step %while3A_501 iter_args(%while3A_530 = %while3A_500) -> (vector<8x128xf32>)  : i32 {
      %mul3A_531 = arith.constant 8 : i32
      %mul3A_532 = arith.muli %while3A_529, %mul3A_531 : i32
      %add3A_533 = arith.addi %reduce_sum3A_452, %mul3A_532 : i32
      %min3A = arith.constant 9992 : i32
      %min3A_534 = arith.minsi %add3A_533, %min3A : i32
      %get3A_535 = arith.index_cast %min3A_534 : i32 to index
      %get3A_536 = arith.constant 0 : index
      %get3A_537 = vector.load %arg1[%get3A_535, %get3A_536] : memref<10000x128xf32, #tpu.memory_space<vmem>>, vector<8x128xf32>
      %iota3A = tpu.iota {dimensions = array<i32: 0>} : vector<8x128xi32>
      %add3A_538 = vector.broadcast %min3A_534 : i32 to vector<8x128xi32>
      %add3A_539 = arith.addi %add3A_538, %iota3A : vector<8x128xi32>
      %ge3A = vector.broadcast %reduce_sum3A_452 : i32 to vector<8x128xi32>
      %ge3A_540 = arith.cmpi sge, %add3A_539, %ge3A : vector<8x128xi32>
      %lt3A_541 = vector.broadcast %reduce_sum3A_462 : i32 to vector<8x128xi32>
      %lt3A_542 = arith.cmpi slt, %add3A_539, %lt3A_541 : vector<8x128xi32>
      %and3A_543 = arith.andi %ge3A_540, %lt3A_542 : vector<8x128xi1>
      %jit3A_544 = arith.constant 0xFF800000 : f32
      %broadcast_in_dim3A_545 = vector.broadcast %jit3A_544 : f32 to vector<8x128xf32>
      %select_n3A_546 = arith.select %and3A_543, %get3A_537, %broadcast_in_dim3A_545 : vector<8x128xi1>, vector<8x128xf32>
      %max3A_547 = arith.maximumf %while3A_530, %select_n3A_546 : vector<8x128xf32>
      scf.yield %max3A_547 : vector<8x128xf32>
    }
    %reduce_max3A_503 = arith.constant dense<0xFF800000> : vector<128xf32>
    %reduce_max3A_504 = vector.multi_reduction <maximumf>, %while3A_502, %reduce_max3A_503 [0] : vector<8x128xf32> to vector<128xf32>
    %broadcast_in_dim3A_505 = vector.shape_cast %reduce_max3A_504 : vector<128xf32> to vector<1x128xf32>
    %concatenate3A = tpu.concatenate %broadcast_in_dim3A_50, %broadcast_in_dim3A_115, %broadcast_in_dim3A_180, %broadcast_in_dim3A_245, %broadcast_in_dim3A_310, %broadcast_in_dim3A_375, %broadcast_in_dim3A_440, %broadcast_in_dim3A_505 in 0 : vector<1x128xf32>, vector<1x128xf32>, vector<1x128xf32>, vector<1x128xf32>, vector<1x128xf32>, vector<1x128xf32>, vector<1x128xf32>, vector<1x128xf32> -> vector<8x128xf32>
    %get3A_506 = arith.constant 0 : index
    %get3A_507 = arith.constant 0 : index
    %get3A_508 = vector.load %arg3[%get3A_506, %get3A_507] : memref<128x128xf32, #tpu.memory_space<vmem>>, vector<128x128xf32>
    %dot_general3A = arith.constant dense<0.000000e+00> : vector<8x128xf32>
    %dot_general3A_509 = tpu.matmul %concatenate3A, %get3A_508, %dot_general3A {dimension_numbers = #tpu.dot_dimension_numbers<[1], [0], [0], [1], [0, 0, 1, 1], [], []>, transpose_lhs_hint = false} : vector<8x128xf32>, vector<128x128xf32>, vector<8x128xf32> -> vector<8x128xf32>
    %get3A_510 = arith.constant 0 : index
    %get3A_511 = arith.constant 0 : index
    %get3A_512 = vector.load %arg4[%get3A_510, %get3A_511] : memref<1x128xf32, #tpu.memory_space<vmem>>, vector<1x128xf32>
    %add3A_513 = vector.broadcast %get3A_512 : vector<1x128xf32> to vector<8x128xf32>
    %add3A_514 = arith.addf %dot_general3A_509, %add3A_513 : vector<8x128xf32>
    %max3A = arith.constant 0.000000e+00 : f32
    %max3A_515 = vector.broadcast %max3A : f32 to vector<8x128xf32>
    %max3A_516 = arith.maximumf %add3A_514, %max3A_515 : vector<8x128xf32>
    %get3A_517 = arith.constant 0 : index
    %get3A_518 = arith.constant 0 : index
    %get3A_519 = vector.load %arg5[%get3A_517, %get3A_518] : memref<128x1xf32, #tpu.memory_space<vmem>>, vector<128x1xf32>
    %dot_general3A_520 = arith.constant dense<0.000000e+00> : vector<8x1xf32>
    %dot_general3A_521 = tpu.matmul %max3A_516, %get3A_519, %dot_general3A_520 {dimension_numbers = #tpu.dot_dimension_numbers<[1], [0], [0], [1], [0, 0, 1, 1], [], []>, transpose_lhs_hint = false} : vector<8x128xf32>, vector<128x1xf32>, vector<8x1xf32> -> vector<8x1xf32>
    %get3A_522 = arith.constant 0 : index
    %get3A_523 = arith.constant 0 : index
    %get3A_524 = vector.load %arg6[%get3A_522, %get3A_523] : memref<1x1xf32, #tpu.memory_space<vmem>>, vector<1x1xf32>
    %add3A_525 = vector.broadcast %get3A_524 : vector<1x1xf32> to vector<8x1xf32>
    %add3A_526 = arith.addf %dot_general3A_521, %add3A_525 : vector<8x1xf32>
    %swap3A = arith.constant 0 : index
    %swap3A_527 = arith.constant 0 : index
    %swap3A_528 = vector.load %arg7[%swap3A, %swap3A_527] : memref<8x1xf32, #tpu.memory_space<vmem>>, vector<8x1xf32>
    tpu.vector_store %arg7[%swap3A, %swap3A_527], %add3A_526 {strides = array<i32>} : memref<8x1xf32, #tpu.memory_space<vmem>>, vector<8x1xf32>,
    return
  }
  func.func @transform_0(%arg0: i32) -> (i32, i32) {
    %c0_i32 = arith.constant 0 : i32
    %c0_i32_0 = arith.constant 0 : i32
    %c0_i32_1 = arith.constant 0 : i32
    return %c0_i32, %c0_i32_0 : i32, i32
  }
  func.func @transform_1(%arg0: i32) -> (i32, i32) {
    %c0_i32 = arith.constant 0 : i32
    %c0_i32_0 = arith.constant 0 : i32
    %c0_i32_1 = arith.constant 0 : i32
    return %c0_i32, %c0_i32_0 : i32, i32
  }
  func.func @transform_2(%arg0: i32) -> (i32, i32) {
    %c0_i32 = arith.constant 0 : i32
    %c0_i32_0 = arith.constant 0 : i32
    %c0_i32_1 = arith.constant 0 : i32
    return %c0_i32, %c0_i32_0 : i32, i32
  }
  func.func @transform_3(%arg0: i32) -> (i32, i32) {
    %c0_i32 = arith.constant 0 : i32
    %c0_i32_0 = arith.constant 0 : i32
    %c0_i32_1 = arith.constant 0 : i32
    return %c0_i32, %c0_i32_0 : i32, i32
  }
  func.func @transform_4(%arg0: i32) -> (i32, i32) {
    %c0_i32 = arith.constant 0 : i32
    %c0_i32_0 = arith.constant 0 : i32
    %c0_i32_1 = arith.constant 0 : i32
    return %c0_i32, %c0_i32_0 : i32, i32
  }
  func.func @transform_5(%arg0: i32) -> (i32, i32) {
    %c0_i32 = arith.constant 0 : i32
    %c0_i32_0 = arith.constant 0 : i32
    %c0_i32_1 = arith.constant 0 : i32
    return %c0_i32, %c0_i32_0 : i32, i32
  }
  func.func @transform_6(%arg0: i32) -> (i32, i32) {
    %c0_i32 = arith.constant 0 : i32
    %c0_i32_0 = arith.constant 0 : i32
    return %arg0, %c0_i32 : i32, i32
  }
}

</mosaic_0001>

<sc_bundles>
// kernel: kernel.12.cloned.1.call-start
scs
__scs_entry_jumppad:
0x0: {  	(pc) =	sbr.rel $0x88, $3  }
0x1: {  	(tag) =	ssettag $0x0;
	lr =	simm.s32 $0x1  }
0x2: {  	[smem:$0x3F8E] =	sst lr;
	_ =	strace $0xD0000000  }
0x3: {  	_ = 	snop  }
0x4: {  	_ = 	snop  }
0x5: {  	_ = 	snop  }
0x6: {  	_ = 	snop  }
0x7: {  	_ = 	snop  }
__scs_overlays_trampoline_lowered:
0x8: {  	[smem:$0x3F9D] =	sst s0  }
0x9: {  	[smem:$0x3F9E] =	sst s1  }
0xa: {  	[smem:$0x3F9F] =	sst s2  }
0xb: {  	[smem:$0x3FA0] =	sst s3  }
0xc: {  	[smem:$0x3FA1] =	sst s4  }
0xd: {  	[smem:$0x3FA2] =	sst s5  }
0xe: {  	[smem:$0x3FA3] =	sst s6  }
0xf: {  	[smem:$0x3FA4] =	sst s7  }
0x10: {  	[smem:$0x3FA5] =	sst s8  }
0x11: {  	[smem:$0x3FA6] =	sst s9;
	s0 =	simm.s32 @!p0 $0x0  }
0x12: {  	s1 =	sld [smem:$0x3F8C];
	s0 =	simm.s32 @p0 $0x1  }
0x13: {  	[smem:$0x3FA7] =	sst s0;
	s0 =	simm.s32 @!p1 $0x0  }
0x14: {  	s2 =	sld [smem:$0x3F8B];
	s0 =	simm.s32 @p1 $0x1  }
0x15: {  	[smem:$0x3FA8] =	sst s0;
	s0 =	simm.s32 @!p2 $0x0  }
0x16: {  	s3 =	sld [smem:$0x3FDB];
	s0 =	simm.s32 @p2 $0x1  }
0x17: {  	s4 =	simm.s32 $0x1BF5;
	[smem:$0x3FAA] =	sst s0  }
0x18: {  	s0 =	sld [smem:$0x3F8D];
	_ =	swait.ge [sflag:s4], $0x0  }
0x19: {  	s7 =	sld [smem:$0x3F8E]  }
0x1a: {  	s8 =	sadd.s32 $0xFFFFE003, lr  }
0x1b: {  	s9 =	sadd.s32 $0xFFFFFEF7, lr;
	s5 =	simm.s32 $0xFFFFFFFF;
	p2 =	slt.u32 s8, $0xFFFFF086  }
0x1c: {  	p1 =	slt.u32 s9, $0xF7A;
	s5 =	simm.s32 @!p2 $0x0  }
0x1d: {  	s5 =	simm.s32 @p1 $0x1;
	p0 =	seq.s32 s7, s2  }
0x1e: {  	s7 =	smul.u32 @!p0 $0xF7A, s2;
	p2 =	seq.s32 @!p0 s5, $0x0  }
0x1f: {  	s9 =	smul.u32 $0xF7A, s1;
	s8 =	simm.s32 @!p0 $0x1BF5;
	p2 =	por !p2, p0  }
0x20: {  	[sflag:s8] =	ssyncset.s32 @!p0 $0xFFFFF086;
	s6 =	sadd.s32 @!p0 s3, s7;
	s7 =	simm.s32 @!p0 $0x108  }
0x21: {  	s3 =	sadd.s32 s3, s9;
	s6 =	sadd.s32 @!p0 $0x88, s6;
	s7 =	simm.s32 @p2 $0x1082  }
0x22: {  	[simem:s7], [sflag:s8] =	dma.local @!p0 [hbm:s6], $0xF7A  }
0x23: {  	s9 =	sor.u32 $0xD0000000, s2;
	s6 =	simm.s32 $0x108;
	_ =	swait.ge @!p0 [sflag:s8], $0x0  }
0x24: {  	s3 =	sadd.s32 $0x88, s3;
	s6 =	simm.s32 @!p1 $0x1082;
	[sflag:s4] =	ssyncset.s32 $0xFFFFF086  }
0x25: {  	[simem:s6], [sflag:s4] =	dma.local [hbm:s3], $0xF7A  }
0x26: {  	[smem:$0x3F8E] =	sst s1;
	(tag) =	ssettag s2;
	_ =	strace s9  }
0x27: {  	s1 =	sld [smem:$0x3F9E]  }
0x28: {  	s2 =	sld [smem:$0x3F9F]  }
0x29: {  	s4 =	sld [smem:$0x3FA1]  }
0x2a: {  	p0 =	seq.s32 s5, $0x0;
	s5 =	sld [smem:$0x3FA2]  }
0x2b: {  	s6 =	sld [smem:$0x3FA3]  }
0x2c: {  	s7 =	sld [smem:$0x3FA4]  }
0x2d: {  	s3 =	simm.s32 $0x108;
	s8 =	sld [smem:$0x3FA5]  }
0x2e: {  	s3 =	simm.s32 @!p0 $0x1082;
	s9 =	sld [smem:$0x3FA6]  }
0x2f: {  	lr =	sadd.s32 s0, s3;
	s0 =	sld [smem:$0x3F9D]  }
0x30: {  	s3 =	sld [smem:$0x3FA0]  }
0x31: {  	[smem:$0x3FA9] =	sst s10  }
0x32: {  	s10 =	sld [smem:$0x3FA7];
	_ =	sdelay $0x3  }
0x33: {  	p0 =	seq.s32 s10, $0x1;
	s10 =	sld [smem:$0x3FA9];
	_ =	sdelay $0x3  }
0x34: {  	[smem:$0x3FA9] =	sst s10  }
0x35: {  	s10 =	sld [smem:$0x3FA8];
	_ =	sdelay $0x3  }
0x36: {  	p1 =	seq.s32 s10, $0x1;
	s10 =	sld [smem:$0x3FA9];
	_ =	sdelay $0x3  }
0x37: {  	[smem:$0x3FA9] =	sst s10  }
0x38: {  	s10 =	sld [smem:$0x3FAA]  }
0x39: {  	_ = 	snop;
	(pc) =	sbr.ind lr, $3  }
0x3a: {  	_ = 	snop  }
0x3b: {  	_ = 	snop  }
0x3c: {  	p2 =	seq.s32 s10, $0x1;
	s10 =	sld [smem:$0x3FA9]  }
0x3d: {  	_ =	shalt  }
0x3e: {  	_ =	shalt  }
0x3f: {  	_ =	shalt  }
0x40: {  	_ =	shalt  }
0x41: {  	_ =	shalt  }
0x42: {  	_ =	shalt  }
0x43: {  	_ =	shalt  }
0x44: {  	_ =	shalt  }
0x45: {  	_ =	shalt  }
0x46: {  	_ =	shalt  }
0x47: {  	_ =	shalt  }
0x48: {  	_ =	shalt  }
0x49: {  	_ =	shalt  }
0x4a: {  	_ =	shalt  }
0x4b: {  	_ =	shalt  }
0x4c: {  	_ =	shalt  }
0x4d: {  	_ =	shalt  }
0x4e: {  	_ =	shalt  }
0x4f: {  	_ =	shalt  }
0x50: {  	_ =	shalt  }
0x51: {  	_ =	shalt  }
0x52: {  	_ =	shalt  }
0x53: {  	_ =	shalt  }
0x54: {  	_ =	shalt  }
0x55: {  	_ =	shalt  }
0x56: {  	_ =	shalt  }
0x57: {  	_ =	shalt  }
0x58: {  	_ =	shalt  }
0x59: {  	_ =	shalt  }
0x5a: {  	_ =	shalt  }
0x5b: {  	_ =	shalt  }
0x5c: {  	_ =	shalt  }
0x5d: {  	_ =	shalt  }
0x5e: {  	_ =	shalt  }
0x5f: {  	_ =	shalt  }
0x60: {  	_ =	shalt  }
0x61: {  	_ =	shalt  }
0x62: {  	_ =	shalt  }
0x63: {  	_ =	shalt  }
0x64: {  	_ =	shalt  }
0x65: {  	_ =	shalt  }
0x66: {  	_ =	shalt  }
0x67: {  	_ =	shalt  }
0x68: {  	_ =	shalt  }
0x69: {  	_ =	shalt  }
0x6a: {  	_ =	shalt  }
0x6b: {  	_ =	shalt  }
0x6c: {  	_ =	shalt  }
0x6d: {  	_ =	shalt  }
0x6e: {  	_ =	shalt  }
0x6f: {  	_ =	shalt  }
0x70: {  	_ =	shalt  }
0x71: {  	_ =	shalt  }
0x72: {  	_ =	shalt  }
0x73: {  	_ =	shalt  }
0x74: {  	_ =	shalt  }
0x75: {  	_ =	shalt  }
0x76: {  	_ =	shalt  }
0x77: {  	_ =	shalt  }
0x78: {  	_ =	shalt  }
0x79: {  	_ =	shalt  }
0x7a: {  	_ =	shalt  }
0x7b: {  	_ =	shalt  }
0x7c: {  	_ =	shalt  }
0x7d: {  	_ =	shalt  }
0x7e: {  	_ =	shalt  }
0x7f: {  	_ =	shalt  }
0x80: {  	_ =	shalt  }
0x81: {  	_ =	shalt  }
0x82: {  	_ =	shalt  }
0x83: {  	_ =	shalt  }
0x84: {  	_ =	shalt  }
0x85: {  	_ =	shalt  }
0x86: {  	_ =	shalt  }
0x87: {  	_ =	shalt  }
.Lfunc_end0:
.L_simem_size_0:
called_computation.1_lowered:
.L_overlay_start_0:
0x88: {  	s2 =	sld [smem:$0x3FD9]  }
0x89: {  	s3 =	sld [smem:$0x3FFE];
	_ =	sdelay $0x1  }
0x8a: {  	s1 =	srdreg.scid  }
0x8b: {  	s0 =	sand.u32 $0x1, s1  }
0x8c: {  	s16 =	sshll.u32 s0, $0xA;
	s2 =	sadd.s32 s3, s2  }
0x8d: {  	s2 =	sadd.s32 s2, s16  }
0x8e: {  	[smem:$0x3FB5] =	sst s2  }
0x8f: {  	_ = 	snop  }
0x90: {  	(tm) =	ssettm $0x1  }
0x91: {  	s17 =	sld [smem:$0x3FFB];
	_ =	sdelay $0x3  }
0x92: {  	_ =	strace s17  }
0x93: {  	s2 =	sld [smem:$0x3FFC];
	_ =	sdelay $0x3  }
0x94: {  	_ =	strace s2  }
0x95: {  	s2 =	sld [smem:$0x3FFD];
	_ =	sdelay $0x3  }
0x96: {  	_ =	strace s2  }
0x97: {  	_ =	strace $0x8FFFFFFF  }
0x98: {  	s18 =	sld [smem:$0x3FDB];
	_ =	sdelay $0x1  }
0x99: {  	s19 =	simm.s32 $_scs_section_size  }
0x9a: {  	s4 =	simm.s32 $_size__tile_overlayer_lowered;
	s5 =	simm.s32 $_tile_overlayer_lowered  }
0x9b: {  	s22 =	simm.s32 $0x1BFF;
	s21 =	sshll.u32 s5, $0x1;
	s2 =	sadd.s32 s19, s18  }
0x9c: {  	s6 =	simm.s32 $0x0;
	s20 =	sshll.u32 s4, $0x1;
	s4 =	sadd.s32 s21, s2  }
0x9d: {  	[timem:s6], [sflag:s22] =	dma.local [hbm:s4], s20  }
0x9e: {  	_ =	swait.ge [sflag:s22], s20  }
0x9f: {  	s3 =	ssub.s32 $0x0, s20;
	[sflag:s22] =	ssyncset.done $0x0  }
0xa0: {  	[sflag:s22] =	ssyncadd.s32 s3;
	_ =	sdelay $0x1  }
0xa1: {  	s23 =	simm.s32 $0x1B8B  }
0xa2: {  	_ =	swait.ge [sflag:s23], $0x1  }
0xa3: {  	[sflag:s23] =	ssyncset.done $0x0  }
0xa4: {  	s25 =	simm.s32 $0x1B8E;
	s24 =	sld [smem:$0x3FFE];
	[sflag:s23] =	ssyncadd.s32 $0xFFFFFFFF  }
0xa5: {  	s26 =	simm.s32 $execute0_lowered;
	[smem:$0x3FD2] =	sst s25  }
0xa6: {  	s4 =	sshll.u32 s26, $0x1;
	_ =	strace $0x80000049;
	[dreg:$0x1] =	wrdreg $0xFFFFFFFF  }
0xa7: {  	s28 =	simm.s32 $_size_execute0_lowered;
	s2 =	sadd.s32 s2, s4;
	[dreg:$0x0] =	wrdreg $0x0  }
0xa8: {  	s4 =	sshll.u32 s28, $0x1;
	[dreg:$0x2] =	wrdreg s2  }
0xa9: {  	[dreg:$0x3] =	wrdreg s4  }
0xaa: {  	[dreg:$0x4] =	wrdreg $0xC0  }
0xab: {  	_ =	task [dreg:s6], $0x5FFFF  }
0xac: {  	[dreg:$0x1] =	wrdreg $0xFFFFFFFF  }
0xad: {  	[dreg:$0x0] =	wrdreg $0x60  }
0xae: {  	[dreg:$0x2] =	wrdreg s24  }
0xaf: {  	[dreg:$0x3] =	wrdreg $0x0  }
0xb0: {  	[dreg:$0x4] =	wrdreg $0x9  }
0xb1: {  	_ =	task.clear_ibuf [dreg:s6], $0x5FFFF;
	_ =	strace $0x90000049  }
0xb2: {  	s29 =	simm.s32 $0x9;
	_ =	strace $0x8000004B  }
0xb3: {  	_ =	swait.ge [sflag:s29], $0x1  }
0xb4: {  	[sflag:s29] =	ssyncadd.s32 $0xFFFFFFFF  }
0xb5: {  	_ =	strace $0x9000004B  }
0xb6: {  	_ =	sfence  }
0xb7: {  	s30 =	sld [smem:$0x0];
	_ =	sdelay $0x2  }
0xb8: {  	s31 =	sshll.u32 s1, $0xD;
	s1 =	sshrl.u32 s1, $0x2  }
0xb9: {  	s3 =	sand.u32 $0x4000, s31;
	s1 =	sadd.s32 s1, s30  }
0xba: {  	s0 =	sor.u32 s3, s0;
	s1 =	sshll.u32 s1, $0x11  }
0xbb: {  	s0 =	sor.u32 s1, s0  }
0xbc: {  	s0 =	sadd.s32 $0x8F2B, s0  }
0xbd: {  	[sflag:s0] =	ssyncadd.remote.s32 $0x1  }
0xbe: {  	_ =	sfence.sel $0xFFFF  }
0xbf: {  	[dreg:$0x0] =	wrdreg $0xFFFFFFFF;
	(pc) =	sbr.abs _section_cstart, $3  }
0xc0: {  	[dreg:$0x1] =	wrdreg $0xFFFFFFFF  }
0xc1: {  	_ =	task.clear_ibuf [dreg:s6], $0x2FFFF;
	_ =	strace $0x9FFFFFFF  }
0xc2: {  	(tm) =	ssettm $0x7FFFFFFF  }
0xc3: {  	_ =	shalt  }
tec
execute0_lowered:
.L_overlay_start_1:
0x0: {  	(tag) =	ssettag $0x1  }
0x1: {  	s0 =	srdreg.scid  }
0x2: {  	s1 =	rddreg [dreg:$0x0];
	s6 =	stileid.u32  }
0x3: {  	s2 =	rddreg [dreg:$0x1];
	s5 =	smul.u32 $0x2710, s6  }
0x4: {  	s3 =	simm.s32 $0x0;
	s28 =	simm.s32 $0x2;
	s7 =	smul.u32 $0x19000, s6  }
0x5: {  	s29 =	simm.s32 $0x138C0;
	s0 =	sand.u32 $0x1, s0;
	s18 =	smul.u32 $0xC80, s6  }
0x6: {  	s30 =	simm.s32 $0x13940;
	s9 =	sor.u32 $0x10, s6;
	s4 =	smul.u32 $0x27100, s0  }
0x7: {  	s31 =	simm.s32 $0x50;
	[smem:$0x7FF] =	sst s3;
	s16 =	smul.u32 $0x19000, s9  }
0x8: {  	s17 =	sadd.s32 $0x18800, s1;
	s10 =	sor.u32 $0x20, s6;
	s19 =	smul.u32 $0xC80, s9  }
0x9: {  	s22 =	sadd.s32 $0x8DE00, s1;
	_ =	strace $0x8000004A;
	s23 =	smul.u32 $0x19000, s10  }
0xa: {  	s15 =	ssub.s32 $0x2, s0;
	p0 =	seq.s32 s0, $0x1;
	s20 =	smul.u32 $0xC80, s10  }
0xb: {  	s10 =	sshll.u32 s6, $0x6;
	[dreg:$0x4] =	wrdreg s22;
	s8 =	sshrl.u32 s15, $0x1  }
0xc: {  	s21 =	sshrl.u32 s7, $0x2;
	s9 =	sadd.s32 s17, s18;
	s5 =	sadd.s32 s5, s4  }
0xd: {  	s4 =	sadd.s32 $0x3FA00, s1;
	s0 =	sshrl.u32 s16, $0x2;
	s24 =	sshrl.u32 s23, $0x2  }
0xe: {  	s13 =	sadd.s32 s17, s19;
	s5 =	sshrl.u32 s5, $0x3;
	s11 =	sadd.s32 s0, s2  }
0xf: {  	s14 =	sadd.s32 s24, s2;
	s12 =	sadd.s32 s5, s1;
	s5 =	sadd.s32 $0x66C00, s1  }
0x10: {  	s1 =	ssub.s32 s15, s8;
	s8 =	sadd.s32 s21, s2;
	s21 =	sor.u32 $0x30, s6  }
0x11: {  	s24 =	sadd.s32 s22, s18;
	s0 =	simm.s32 $0x1;
	s15 =	smul.u32 $0x19000, s21  }
0x12: {  	[dreg:$0x9] =	wrdreg s24;
	s7 =	smax.u32 s1, $0x1;
	s25 =	smul.u32 $0xC80, s21  }
0x13: {  	s1 =	sadd.s32 s5, s18;
	s6 =	sadd.s32 s5, s19;
	[dreg:$0x3] =	wrdreg s5  }
0x14: {  	s23 =	sadd.s32 s5, s20;
	p1 =	sgt.u32 s21, $0x31;
	[dreg:$0x6] =	wrdreg s1  }
0x15: {  	p2 =	slt.u32 s21, $0x32;
	s24 =	sadd.s32 $0x4C00, s12;
	[dreg:$0x7] =	wrdreg s6  }
.Ltmp0:
0x16: {  	s18 =	simm.s32 $0x0;
	[dreg:$0x8] =	wrdreg s23;
	(pc) =	sbr.rel .LBB2_1-.Ltmp0, $4  }
0x17: {  	s1 =	simm.s32 $0x139C0;
	s26 =	sshrl.u32 s15, $0x2;
	s15 =	sadd.s32 s17, s20  }
0x18: {  	[dreg:$0x5] =	wrdreg s25;
	s17 =	sadd.s32 s17, s25;
	s25 =	sadd.s32 s22, s19  }
0x19: {  	s16 =	sadd.s32 s26, s2;
	[dreg:$0xa] =	wrdreg s25;
	s26 =	sadd.s32 s22, s20  }
0x1a: {  	s25 =	sadd.s32 $0xEA00, s12;
	[dreg:$0xb] =	wrdreg s26;
	s26 =	sor.u32 $0x1C02, s10  }
.LBB2_6:
0x1b: {  	s5 =	sadd.s32 s21, s10;
	s6 =	rddreg [dreg:$0x5]  }
0x1c: {  	s23 =	sshrl.u32 s16, $0x3;
	s6 =	sadd.s32 s12, s6;
	s5 =	sadd.s32 $0x1C00, s5  }
0x1d: {  	[hbm:s6], [sflag:s5] =	dma.local [spmem:s23], $0xC80  }
0x1e: {  	_ =	swait.ge [sflag:s21], $0xC80  }
0x1f: {  	[sflag:s21] =	ssyncset.done $0x0  }
0x20: {  	[sflag:s21] =	ssyncadd.s32 $0xFFFFF380  }
.LBB2_7:
0x21: {  	s18 =	sadd.s32 $0x1, s18  }
0x22: {  	p3 =	sne.s32 s18, s7  }
.Ltmp1:
0x23: {  	_ = 	snop;
	(pc) =	sbr.rel @!p3 .LBB2_8-.Ltmp1, $1  }
0x24: {  	_ =	sdelay $0x3  }
.LBB2_1:
0x25: {  	s21 =	sshrl.u32 s8, $0x3  }
0x26: {  	[spmem:s21], [sflag:s26] =	dma.local [hbm:s9], $0xC80  }
0x27: {  	_ =	swait.ge [sflag:s28], $0xC80  }
0x28: {  	[sflag:s28] =	ssyncset.done $0x0  }
0x29: {  	s20 =	sshrl.u32 s11, $0x3;
	[sflag:s28] =	ssyncadd.s32 $0xFFFFF380  }
0x2a: {  	[spmem:s20], [sflag:s26] =	dma.local [hbm:s13], $0xC80  }
0x2b: {  	_ =	swait.ge [sflag:s28], $0xC80  }
0x2c: {  	[sflag:s28] =	ssyncset.done $0x0  }
0x2d: {  	s19 =	sshrl.u32 s14, $0x3;
	[sflag:s28] =	ssyncadd.s32 $0xFFFFF380  }
0x2e: {  	[spmem:s19], [sflag:s26] =	dma.local [hbm:s15], $0xC80  }
0x2f: {  	_ =	swait.ge [sflag:s28], $0xC80  }
0x30: {  	[sflag:s28] =	ssyncset.done $0x0  }
0x31: {  	s12 =	sshrl.u32 @!p1 s16, $0x3;
	[sflag:s28] =	ssyncadd.s32 $0xFFFFF380  }
0x32: {  	[spmem:s12], [sflag:s26] =	dma.local @!p1 [hbm:s17], $0xC80  }
0x33: {  	s12 =	simm.s32 @!p1 $0x2  }
0x34: {  	_ =	swait.ge @!p1 [sflag:s12], $0xC80  }
0x35: {  	[sflag:s12] =	ssyncset.done @!p1 $0x0  }
0x36: {  	[sflag:s12] =	ssyncadd.s32 @!p1 $0xFFFFF380  }
0x37: {  	s22 =	sadd.s32 $0x0, s25;
	[bflag:$0x0] =	sbarrier.arrive $0xFFFF  }
0x38: {  	[tilespmem:s29], [sflag:$0x2] =	stream.linear.gather [hbm4b:s22+s3], $0x50, $0x38;
	[tilespmem:$0x161C0] =	vst v63  }
0x39: {  	_ =	swait.ge [sflag:s28], $0x50  }
0x3a: {  	[sflag:s28] =	ssyncset.done $0x0  }
0x3b: {  	s23 =	sadd.s32 $0x0, s24;
	[sflag:s28] =	ssyncadd.s32 $0xFFFFFFB0  }
0x3c: {  	[tilespmem:s30], [sflag:$0x2] =	stream.linear.gather [hbm4b:s23+s3], $0x50, $0x38;
	[tilespmem:$0x161C0] =	vst v63  }
0x3d: {  	_ =	swait.ge [sflag:s28], $0x50  }
0x3e: {  	[sflag:s28] =	ssyncset.done $0x0  }
0x3f: {  	[sflag:s28] =	ssyncadd.s32 $0xFFFFFFB0  }
0x40: {  	[tilespmem:s1], [sflag:$0x1] =	stream.indirect.gather [hbm4b:s4+s31], $0x80, s29, s31, $0xb8;
	[tilespmem:$0x161C0] =	vst v63  }
0x41: {  	_ =	swait.ge [sflag:s0], $0x2800  }
0x42: {  	[sflag:s0] =	ssyncset.done $0x0  }
0x43: {  	[sflag:s0] =	ssyncadd.s32 $0xFFFFD800  }
0x44: {  	[spmem:s2] =	stream.indirect.scatter.add.f32 [tilespmem:s1], [sflag:$0x2], $0x80, s30, s31, $0xb8;
	[tilespmem:$0x161C0] =	vst v63  }
0x45: {  	_ =	swait.ge [sflag:s28], $0x2800  }
0x46: {  	s12 =	simm.s32 $0x14;
	s22 =	simm.s32 $0xA;
	[sflag:s28] =	ssyncset.done $0x0  }
.LBB2_2:
0x47: {  	s23 =	sadd.s32 s22, s25  }
0x48: {  	[sflag:s28] =	ssyncadd.s32 $0xFFFFD800;
	s5 =	smov.u32 s12;
	s6 =	sadd.s32 $0xA, s12  }
0x49: {  	[tilespmem:s29], [sflag:$0x2] =	stream.linear.gather [hbm4b:s23+s3], $0x50, $0x38;
	[tilespmem:$0x161C0] =	vst v63  }
0x4a: {  	p3 =	sne.s32 s12, $0x4D8;
	_ =	swait.ge [sflag:s28], $0x50  }
0x4b: {  	[sflag:s28] =	ssyncset.done $0x0  }
0x4c: {  	s12 =	sadd.s32 s22, s24;
	s22 =	smov.u32 s5;
	[sflag:s28] =	ssyncadd.s32 $0xFFFFFFB0  }
0x4d: {  	[tilespmem:s30], [sflag:$0x2] =	stream.linear.gather [hbm4b:s12+s3], $0x50, $0x38;
	[tilespmem:$0x161C0] =	vst v63  }
0x4e: {  	_ =	swait.ge [sflag:s28], $0x50  }
0x4f: {  	[sflag:s28] =	ssyncset.done $0x0  }
0x50: {  	[sflag:s28] =	ssyncadd.s32 $0xFFFFFFB0  }
0x51: {  	[tilespmem:s1], [sflag:$0x1] =	stream.indirect.gather [hbm4b:s4+s31], $0x80, s29, s31, $0xb8;
	[tilespmem:$0x161C0] =	vst v63  }
0x52: {  	_ =	swait.ge [sflag:s0], $0x2800  }
.Ltmp2:
0x53: {  	[sflag:s0] =	ssyncset.done $0x0;
	(pc) =	sbr.rel @p3 .LBB2_2-.Ltmp2, $4  }
0x54: {  	[sflag:s0] =	ssyncadd.s32 $0xFFFFD800  }
0x55: {  	[spmem:s2] =	stream.indirect.scatter.add.f32 [tilespmem:s1], [sflag:$0x2], $0x80, s30, s31, $0xb8;
	[tilespmem:$0x161C0] =	vst v63  }
0x56: {  	_ =	swait.ge [sflag:s28], $0x2800  }
0x57: {  	s12 =	smov.u32 s6;
	[sflag:s28] =	ssyncset.done $0x0  }
0x58: {  	s5 =	sadd.s32 s22, s25;
	[sflag:s28] =	ssyncadd.s32 $0xFFFFD800  }
0x59: {  	[tilespmem:s29], [sflag:$0x2] =	stream.linear.gather [hbm4b:s5+s3], $0x50, $0x38;
	[tilespmem:$0x161C0] =	vst v63  }
0x5a: {  	_ =	swait.ge [sflag:s28], $0x50  }
0x5b: {  	[sflag:s28] =	ssyncset.done $0x0  }
0x5c: {  	s23 =	sadd.s32 s22, s24;
	[sflag:s28] =	ssyncadd.s32 $0xFFFFFFB0  }
0x5d: {  	[tilespmem:s30], [sflag:$0x2] =	stream.linear.gather [hbm4b:s23+s3], $0x50, $0x38;
	[tilespmem:$0x161C0] =	vst v63  }
0x5e: {  	_ =	swait.ge [sflag:s28], $0x50  }
0x5f: {  	[sflag:s28] =	ssyncset.done $0x0  }
0x60: {  	[sflag:s28] =	ssyncadd.s32 $0xFFFFFFB0  }
0x61: {  	[tilespmem:s1], [sflag:$0x1] =	stream.indirect.gather [hbm4b:s4+s31], $0x80, s29, s31, $0xb8;
	[tilespmem:$0x161C0] =	vst v63  }
0x62: {  	_ =	swait.ge [sflag:s0], $0x2800  }
0x63: {  	[sflag:s0] =	ssyncset.done $0x0  }
0x64: {  	[sflag:s0] =	ssyncadd.s32 $0xFFFFD800  }
0x65: {  	[spmem:s2] =	stream.indirect.scatter.add.f32 [tilespmem:s1], [sflag:$0x2], $0x80, s30, s31, $0xb8;
	[tilespmem:$0x161C0] =	vst v63  }
.Ltmp3:
0x66: {  	_ =	swait.ge [sflag:s28], $0x2800;
	(pc) =	sbr.rel @!p0 .LBB2_5-.Ltmp3, $3  }
0x67: {  	[sflag:s28] =	ssyncset.done $0x0  }
0x68: {  	[sflag:s28] =	ssyncadd.s32 $0xFFFFD800  }
0x69: {  	[bflag:$0x0] =	sbarrier.arrive $0xFFFF;
	_ =	sdelay $0x1  }
0x6a: {  	s5 =	rddreg [dreg:$0x9]  }
0x6b: {  	[hbm:s5], [sflag:s26] =	dma.local [spmem:s21], $0xC80  }
0x6c: {  	s21 =	simm.s32 $0x2  }
0x6d: {  	_ =	swait.ge [sflag:s21], $0xC80  }
0x6e: {  	[sflag:s21] =	ssyncset.done $0x0  }
0x6f: {  	s22 =	rddreg [dreg:$0xa];
	[sflag:s21] =	ssyncadd.s32 $0xFFFFF380  }
0x70: {  	[hbm:s22], [sflag:s26] =	dma.local [spmem:s20], $0xC80  }
0x71: {  	_ =	swait.ge [sflag:s21], $0xC80  }
0x72: {  	[sflag:s21] =	ssyncset.done $0x0  }
0x73: {  	s23 =	rddreg [dreg:$0xb];
	[sflag:s21] =	ssyncadd.s32 $0xFFFFF380  }
0x74: {  	[hbm:s23], [sflag:s26] =	dma.local [spmem:s19], $0xC80  }
.Ltmp4:
0x75: {  	_ = 	snop;
	(pc) =	sbr.rel @p2 .LBB2_6-.Ltmp4, $4  }
.Ltmp5:
0x76: {  	_ = 	snop;
	(pc) =	sbr.rel @!p2 .LBB2_7-.Ltmp5, $4  }
0x77: {  	_ =	swait.ge [sflag:s21], $0xC80  }
0x78: {  	[sflag:s21] =	ssyncset.done $0x0  }
0x79: {  	s12 =	rddreg [dreg:$0x4];
	[sflag:s21] =	ssyncadd.s32 $0xFFFFF380  }
0x7a: {  	_ = 	snop  }
.LBB2_5:
0x7b: {  	s5 =	sor.u32 $0x1C03, s10;
	s6 =	rddreg [dreg:$0x6]  }
0x7c: {  	[hbm:s6], [sflag:s5] =	dma.local [spmem:s21], $0xC80  }
0x7d: {  	s21 =	simm.s32 $0x3  }
0x7e: {  	_ =	swait.ge [sflag:s21], $0xC80  }
0x7f: {  	[sflag:s21] =	ssyncset.done $0x0  }
0x80: {  	s22 =	rddreg [dreg:$0x7];
	[sflag:s21] =	ssyncadd.s32 $0xFFFFF380  }
0x81: {  	[hbm:s22], [sflag:s5] =	dma.local [spmem:s20], $0xC80  }
0x82: {  	_ =	swait.ge [sflag:s21], $0xC80  }
0x83: {  	[sflag:s21] =	ssyncset.done $0x0  }
0x84: {  	s23 =	rddreg [dreg:$0x8];
	[sflag:s21] =	ssyncadd.s32 $0xFFFFF380  }
0x85: {  	[hbm:s23], [sflag:s5] =	dma.local [spmem:s19], $0xC80  }
.Ltmp6:
0x86: {  	_ = 	snop;
	(pc) =	sbr.rel @p1 .LBB2_7-.Ltmp6, $4  }
.Ltmp7:
0x87: {  	_ = 	snop;
	(pc) =	sbr.rel @!p1 .LBB2_6-.Ltmp7, $4  }
0x88: {  	_ =	swait.ge [sflag:s21], $0xC80  }
0x89: {  	[sflag:s21] =	ssyncset.done $0x0  }
0x8a: {  	s12 =	rddreg [dreg:$0x3];
	[sflag:s21] =	ssyncadd.s32 $0xFFFFF380  }
0x8b: {  	_ = 	snop  }
.LBB2_8:
0x8c: {  	_ =	sfence.sel $0x180000  }
0x8d: {  	[bflag:$0x0] =	sbarrier.arrive $0xFFFF  }
0x8e: {  	_ =	strace $0x9000004A  }
0x8f: {  	s0 =	stileid.u32;
	[bflag:$0x2] =	sbarrier.arrive $0xFFFF  }
0x90: {  	p0 =	sne.s32 s0, $0x0;
	s0 =	rddreg [dreg:$0x2]  }
0x91: {  	s0 =	sadd.s32 @!p0 $0x100000, s0  }
0x92: {  	[sflag:s0] =	ssyncadd.tile.s32 @!p0 $0x1;
	_ =	shalt  }
.Lfunc_end2:
_tile_overlayer_lowered:
.L_overlay_start_2:
0x93: {  	(tag) =	ssettag $0x2  }
0x94: {  	s0 =	rddreg [dreg:$0x0];
	s2 =	stileid.u32  }
0x95: {  	s1 =	rddreg [dreg:$0x1];
	p0 =	sne.s32 s2, $0x0  }
0x96: {  	s3 =	rddreg [dreg:$0x2];
	[bflag:$0x3] =	sbarrier.arrive $0xFFFF;
	s2 =	simm.s32 @!p0 $0x1C02  }
0x97: {  	[timem:s3], [sflag:s2] =	dma.local @!p0 [hbm:s0], s1  }
0x98: {  	s0 =	simm.s32 @!p0 $0x2  }
0x99: {  	_ =	swait.ge @!p0 [sflag:s0], s1  }
0x9a: {  	s1 =	ssub.s32 @!p0 $0x0, s1;
	[sflag:s0] =	ssyncset.done @!p0 $0x0  }
0x9b: {  	[sflag:s0] =	ssyncadd.s32 @!p0 s1  }
0x9c: {  	[bflag:$0x3] =	sbarrier.arrive $0xFFFF  }
0x9d: {  	_ =	shalt  }

// kernel: kernel.15.cloned.1.call-start
scs
__scs_entry_jumppad:
0x0: {  	(pc) =	sbr.rel $0x88, $3  }
0x1: {  	(tag) =	ssettag $0x0;
	lr =	simm.s32 $0x1  }
0x2: {  	[smem:$0x3F8E] =	sst lr;
	_ =	strace $0xD0000000  }
0x3: {  	_ = 	snop  }
0x4: {  	_ = 	snop  }
0x5: {  	_ = 	snop  }
0x6: {  	_ = 	snop  }
0x7: {  	_ = 	snop  }
__scs_overlays_trampoline_lowered:
0x8: {  	[smem:$0x3F9D] =	sst s0  }
0x9: {  	[smem:$0x3F9E] =	sst s1  }
0xa: {  	[smem:$0x3F9F] =	sst s2  }
0xb: {  	[smem:$0x3FA0] =	sst s3  }
0xc: {  	[smem:$0x3FA1] =	sst s4  }
0xd: {  	[smem:$0x3FA2] =	sst s5  }
0xe: {  	[smem:$0x3FA3] =	sst s6  }
0xf: {  	[smem:$0x3FA4] =	sst s7  }
0x10: {  	[smem:$0x3FA5] =	sst s8  }
0x11: {  	[smem:$0x3FA6] =	sst s9;
	s0 =	simm.s32 @!p0 $0x0  }
0x12: {  	s1 =	sld [smem:$0x3F8C];
	s0 =	simm.s32 @p0 $0x1  }
0x13: {  	[smem:$0x3FA7] =	sst s0;
	s0 =	simm.s32 @!p1 $0x0  }
0x14: {  	s2 =	sld [smem:$0x3F8B];
	s0 =	simm.s32 @p1 $0x1  }
0x15: {  	[smem:$0x3FA8] =	sst s0;
	s0 =	simm.s32 @!p2 $0x0  }
0x16: {  	s3 =	sld [smem:$0x3FDB];
	s0 =	simm.s32 @p2 $0x1  }
0x17: {  	s4 =	simm.s32 $0x1BF5;
	[smem:$0x3FAA] =	sst s0  }
0x18: {  	s0 =	sld [smem:$0x3F8D];
	_ =	swait.ge [sflag:s4], $0x0  }
0x19: {  	s7 =	sld [smem:$0x3F8E]  }
0x1a: {  	s8 =	sadd.s32 $0xFFFFE003, lr  }
0x1b: {  	s9 =	sadd.s32 $0xFFFFFEF7, lr;
	s5 =	simm.s32 $0xFFFFFFFF;
	p2 =	slt.u32 s8, $0xFFFFF086  }
0x1c: {  	p1 =	slt.u32 s9, $0xF7A;
	s5 =	simm.s32 @!p2 $0x0  }
0x1d: {  	s5 =	simm.s32 @p1 $0x1;
	p0 =	seq.s32 s7, s2  }
0x1e: {  	s7 =	smul.u32 @!p0 $0xF7A, s2;
	p2 =	seq.s32 @!p0 s5, $0x0  }
0x1f: {  	s9 =	smul.u32 $0xF7A, s1;
	s8 =	simm.s32 @!p0 $0x1BF5;
	p2 =	por !p2, p0  }
0x20: {  	[sflag:s8] =	ssyncset.s32 @!p0 $0xFFFFF086;
	s6 =	sadd.s32 @!p0 s3, s7;
	s7 =	simm.s32 @!p0 $0x108  }
0x21: {  	s3 =	sadd.s32 s3, s9;
	s6 =	sadd.s32 @!p0 $0x88, s6;
	s7 =	simm.s32 @p2 $0x1082  }
0x22: {  	[simem:s7], [sflag:s8] =	dma.local @!p0 [hbm:s6], $0xF7A  }
0x23: {  	s9 =	sor.u32 $0xD0000000, s2;
	s6 =	simm.s32 $0x108;
	_ =	swait.ge @!p0 [sflag:s8], $0x0  }
0x24: {  	s3 =	sadd.s32 $0x88, s3;
	s6 =	simm.s32 @!p1 $0x1082;
	[sflag:s4] =	ssyncset.s32 $0xFFFFF086  }
0x25: {  	[simem:s6], [sflag:s4] =	dma.local [hbm:s3], $0xF7A  }
0x26: {  	[smem:$0x3F8E] =	sst s1;
	(tag) =	ssettag s2;
	_ =	strace s9  }
0x27: {  	s1 =	sld [smem:$0x3F9E]  }
0x28: {  	s2 =	sld [smem:$0x3F9F]  }
0x29: {  	s4 =	sld [smem:$0x3FA1]  }
0x2a: {  	p0 =	seq.s32 s5, $0x0;
	s5 =	sld [smem:$0x3FA2]  }
0x2b: {  	s6 =	sld [smem:$0x3FA3]  }
0x2c: {  	s7 =	sld [smem:$0x3FA4]  }
0x2d: {  	s3 =	simm.s32 $0x108;
	s8 =	sld [smem:$0x3FA5]  }
0x2e: {  	s3 =	simm.s32 @!p0 $0x1082;
	s9 =	sld [smem:$0x3FA6]  }
0x2f: {  	lr =	sadd.s32 s0, s3;
	s0 =	sld [smem:$0x3F9D]  }
0x30: {  	s3 =	sld [smem:$0x3FA0]  }
0x31: {  	[smem:$0x3FA9] =	sst s10  }
0x32: {  	s10 =	sld [smem:$0x3FA7];
	_ =	sdelay $0x3  }
0x33: {  	p0 =	seq.s32 s10, $0x1;
	s10 =	sld [smem:$0x3FA9];
	_ =	sdelay $0x3  }
0x34: {  	[smem:$0x3FA9] =	sst s10  }
0x35: {  	s10 =	sld [smem:$0x3FA8];
	_ =	sdelay $0x3  }
0x36: {  	p1 =	seq.s32 s10, $0x1;
	s10 =	sld [smem:$0x3FA9];
	_ =	sdelay $0x3  }
0x37: {  	[smem:$0x3FA9] =	sst s10  }
0x38: {  	s10 =	sld [smem:$0x3FAA]  }
0x39: {  	_ = 	snop;
	(pc) =	sbr.ind lr, $3  }
0x3a: {  	_ = 	snop  }
0x3b: {  	_ = 	snop  }
0x3c: {  	p2 =	seq.s32 s10, $0x1;
	s10 =	sld [smem:$0x3FA9]  }
0x3d: {  	_ =	shalt  }
0x3e: {  	_ =	shalt  }
0x3f: {  	_ =	shalt  }
0x40: {  	_ =	shalt  }
0x41: {  	_ =	shalt  }
0x42: {  	_ =	shalt  }
0x43: {  	_ =	shalt  }
0x44: {  	_ =	shalt  }
0x45: {  	_ =	shalt  }
0x46: {  	_ =	shalt  }
0x47: {  	_ =	shalt  }
0x48: {  	_ =	shalt  }
0x49: {  	_ =	shalt  }
0x4a: {  	_ =	shalt  }
0x4b: {  	_ =	shalt  }
0x4c: {  	_ =	shalt  }
0x4d: {  	_ =	shalt  }
0x4e: {  	_ =	shalt  }
0x4f: {  	_ =	shalt  }
0x50: {  	_ =	shalt  }
0x51: {  	_ =	shalt  }
0x52: {  	_ =	shalt  }
0x53: {  	_ =	shalt  }
0x54: {  	_ =	shalt  }
0x55: {  	_ =	shalt  }
0x56: {  	_ =	shalt  }
0x57: {  	_ =	shalt  }
0x58: {  	_ =	shalt  }
0x59: {  	_ =	shalt  }
0x5a: {  	_ =	shalt  }
0x5b: {  	_ =	shalt  }
0x5c: {  	_ =	shalt  }
0x5d: {  	_ =	shalt  }
0x5e: {  	_ =	shalt  }
0x5f: {  	_ =	shalt  }
0x60: {  	_ =	shalt  }
0x61: {  	_ =	shalt  }
0x62: {  	_ =	shalt  }
0x63: {  	_ =	shalt  }
0x64: {  	_ =	shalt  }
0x65: {  	_ =	shalt  }
0x66: {  	_ =	shalt  }
0x67: {  	_ =	shalt  }
0x68: {  	_ =	shalt  }
0x69: {  	_ =	shalt  }
0x6a: {  	_ =	shalt  }
0x6b: {  	_ =	shalt  }
0x6c: {  	_ =	shalt  }
0x6d: {  	_ =	shalt  }
0x6e: {  	_ =	shalt  }
0x6f: {  	_ =	shalt  }
0x70: {  	_ =	shalt  }
0x71: {  	_ =	shalt  }
0x72: {  	_ =	shalt  }
0x73: {  	_ =	shalt  }
0x74: {  	_ =	shalt  }
0x75: {  	_ =	shalt  }
0x76: {  	_ =	shalt  }
0x77: {  	_ =	shalt  }
0x78: {  	_ =	shalt  }
0x79: {  	_ =	shalt  }
0x7a: {  	_ =	shalt  }
0x7b: {  	_ =	shalt  }
0x7c: {  	_ =	shalt  }
0x7d: {  	_ =	shalt  }
0x7e: {  	_ =	shalt  }
0x7f: {  	_ =	shalt  }
0x80: {  	_ =	shalt  }
0x81: {  	_ =	shalt  }
0x82: {  	_ =	shalt  }
0x83: {  	_ =	shalt  }
0x84: {  	_ =	shalt  }
0x85: {  	_ =	shalt  }
0x86: {  	_ =	shalt  }
0x87: {  	_ =	shalt  }
.Lfunc_end0:
.L_simem_size_0:
called_computation.2_lowered:
.L_overlay_start_0:
0x88: {  	s2 =	sld [smem:$0x3FD9]  }
0x89: {  	s3 =	sld [smem:$0x3FFE];
	_ =	sdelay $0x1  }
0x8a: {  	s1 =	srdreg.scid  }
0x8b: {  	s0 =	sand.u32 $0x1, s1  }
0x8c: {  	s16 =	sshll.u32 s0, $0xA;
	s2 =	sadd.s32 s3, s2  }
0x8d: {  	s2 =	sadd.s32 s2, s16  }
0x8e: {  	[smem:$0x3FB5] =	sst s2  }
0x8f: {  	_ = 	snop  }
0x90: {  	(tm) =	ssettm $0x1  }
0x91: {  	s17 =	sld [smem:$0x3FFB];
	_ =	sdelay $0x3  }
0x92: {  	_ =	strace s17  }
0x93: {  	s2 =	sld [smem:$0x3FFC];
	_ =	sdelay $0x3  }
0x94: {  	_ =	strace s2  }
0x95: {  	s2 =	sld [smem:$0x3FFD];
	_ =	sdelay $0x3  }
0x96: {  	_ =	strace s2  }
0x97: {  	_ =	strace $0x8FFFFFFF  }
0x98: {  	s18 =	sld [smem:$0x3FDB];
	_ =	sdelay $0x1  }
0x99: {  	s19 =	simm.s32 $_scs_section_size  }
0x9a: {  	s4 =	simm.s32 $_size__tile_overlayer_lowered;
	s5 =	simm.s32 $_tile_overlayer_lowered  }
0x9b: {  	s22 =	simm.s32 $0x1BFF;
	s21 =	sshll.u32 s5, $0x1;
	s2 =	sadd.s32 s19, s18  }
0x9c: {  	s6 =	simm.s32 $0x0;
	s20 =	sshll.u32 s4, $0x1;
	s4 =	sadd.s32 s21, s2  }
0x9d: {  	[timem:s6], [sflag:s22] =	dma.local [hbm:s4], s20  }
0x9e: {  	_ =	swait.ge [sflag:s22], s20  }
0x9f: {  	s3 =	ssub.s32 $0x0, s20;
	[sflag:s22] =	ssyncset.done $0x0  }
0xa0: {  	[sflag:s22] =	ssyncadd.s32 s3;
	_ =	sdelay $0x1  }
0xa1: {  	s23 =	simm.s32 $0x1B8B  }
0xa2: {  	_ =	swait.ge [sflag:s23], $0x1  }
0xa3: {  	[sflag:s23] =	ssyncset.done $0x0  }
0xa4: {  	s25 =	simm.s32 $0x1B8E;
	s24 =	sld [smem:$0x3FFE];
	[sflag:s23] =	ssyncadd.s32 $0xFFFFFFFF  }
0xa5: {  	s26 =	simm.s32 $execute0_lowered;
	[smem:$0x3FD2] =	sst s25  }
0xa6: {  	s4 =	sshll.u32 s26, $0x1;
	_ =	strace $0x8000004C;
	[dreg:$0x1] =	wrdreg $0xFFFFFFFF  }
0xa7: {  	s28 =	simm.s32 $_size_execute0_lowered;
	s2 =	sadd.s32 s2, s4;
	[dreg:$0x0] =	wrdreg $0x0  }
0xa8: {  	s4 =	sshll.u32 s28, $0x1;
	[dreg:$0x2] =	wrdreg s2  }
0xa9: {  	[dreg:$0x3] =	wrdreg s4  }
0xaa: {  	[dreg:$0x4] =	wrdreg $0xC0  }
0xab: {  	_ =	task [dreg:s6], $0x5FFFF  }
0xac: {  	[dreg:$0x1] =	wrdreg $0xFFFFFFFF  }
0xad: {  	[dreg:$0x0] =	wrdreg $0x60  }
0xae: {  	[dreg:$0x2] =	wrdreg s24  }
0xaf: {  	[dreg:$0x3] =	wrdreg $0x0  }
0xb0: {  	[dreg:$0x4] =	wrdreg $0x9  }
0xb1: {  	_ =	task.clear_ibuf [dreg:s6], $0x5FFFF;
	_ =	strace $0x9000004C  }
0xb2: {  	s29 =	simm.s32 $0x9;
	_ =	strace $0x8000004E  }
0xb3: {  	_ =	swait.ge [sflag:s29], $0x1  }
0xb4: {  	[sflag:s29] =	ssyncadd.s32 $0xFFFFFFFF  }
0xb5: {  	_ =	strace $0x9000004E  }
0xb6: {  	_ =	sfence  }
0xb7: {  	s30 =	sld [smem:$0x0];
	_ =	sdelay $0x2  }
0xb8: {  	s31 =	sshll.u32 s1, $0xD;
	s1 =	sshrl.u32 s1, $0x2  }
0xb9: {  	s3 =	sand.u32 $0x4000, s31;
	s1 =	sadd.s32 s1, s30  }
0xba: {  	s0 =	sor.u32 s3, s0;
	s1 =	sshll.u32 s1, $0x11  }
0xbb: {  	s0 =	sor.u32 s1, s0  }
0xbc: {  	s0 =	sadd.s32 $0x8F2B, s0  }
0xbd: {  	[sflag:s0] =	ssyncadd.remote.s32 $0x1  }
0xbe: {  	_ =	sfence.sel $0xFFFF  }
0xbf: {  	[dreg:$0x0] =	wrdreg $0xFFFFFFFF;
	(pc) =	sbr.abs _section_cstart, $3  }
0xc0: {  	[dreg:$0x1] =	wrdreg $0xFFFFFFFF  }
0xc1: {  	_ =	task.clear_ibuf [dreg:s6], $0x2FFFF;
	_ =	strace $0x9FFFFFFF  }
0xc2: {  	(tm) =	ssettm $0x7FFFFFFF  }
0xc3: {  	_ =	shalt  }
tec
execute0_lowered:
.L_overlay_start_1:
0x0: {  	(tag) =	ssettag $0x1  }
0x1: {  	s0 =	srdreg.scid  }
0x2: {  	s1 =	rddreg [dreg:$0x0];
	s6 =	stileid.u32  }
0x3: {  	s2 =	rddreg [dreg:$0x1];
	s5 =	smul.u32 $0x2710, s6  }
0x4: {  	s3 =	simm.s32 $0x0;
	s28 =	simm.s32 $0x2;
	s7 =	smul.u32 $0x19000, s6  }
0x5: {  	s29 =	simm.s32 $0x138C0;
	s0 =	sand.u32 $0x1, s0;
	s18 =	smul.u32 $0xC80, s6  }
0x6: {  	s30 =	simm.s32 $0x13940;
	s9 =	sor.u32 $0x10, s6;
	s4 =	smul.u32 $0x27100, s0  }
0x7: {  	s31 =	simm.s32 $0x50;
	[smem:$0x7FF] =	sst s3;
	s16 =	smul.u32 $0x19000, s9  }
0x8: {  	s17 =	sadd.s32 $0x18800, s1;
	s10 =	sor.u32 $0x20, s6;
	s19 =	smul.u32 $0xC80, s9  }
0x9: {  	s22 =	sadd.s32 $0x8DE00, s1;
	_ =	strace $0x8000004D;
	s23 =	smul.u32 $0x19000, s10  }
0xa: {  	s15 =	ssub.s32 $0x2, s0;
	p0 =	seq.s32 s0, $0x1;
	s20 =	smul.u32 $0xC80, s10  }
0xb: {  	s10 =	sshll.u32 s6, $0x6;
	[dreg:$0x4] =	wrdreg s22;
	s8 =	sshrl.u32 s15, $0x1  }
0xc: {  	s21 =	sshrl.u32 s7, $0x2;
	s9 =	sadd.s32 s17, s18;
	s5 =	sadd.s32 s5, s4  }
0xd: {  	s4 =	sadd.s32 $0x3FA00, s1;
	s0 =	sshrl.u32 s16, $0x2;
	s24 =	sshrl.u32 s23, $0x2  }
0xe: {  	s13 =	sadd.s32 s17, s19;
	s5 =	sshrl.u32 s5, $0x3;
	s11 =	sadd.s32 s0, s2  }
0xf: {  	s14 =	sadd.s32 s24, s2;
	s12 =	sadd.s32 s5, s1;
	s5 =	sadd.s32 $0x66C00, s1  }
0x10: {  	s1 =	ssub.s32 s15, s8;
	s8 =	sadd.s32 s21, s2;
	s21 =	sor.u32 $0x30, s6  }
0x11: {  	s24 =	sadd.s32 s22, s18;
	s0 =	simm.s32 $0x1;
	s15 =	smul.u32 $0x19000, s21  }
0x12: {  	[dreg:$0x9] =	wrdreg s24;
	s7 =	smax.u32 s1, $0x1;
	s25 =	smul.u32 $0xC80, s21  }
0x13: {  	s1 =	sadd.s32 s5, s18;
	s6 =	sadd.s32 s5, s19;
	[dreg:$0x3] =	wrdreg s5  }
0x14: {  	s23 =	sadd.s32 s5, s20;
	p1 =	sgt.u32 s21, $0x31;
	[dreg:$0x6] =	wrdreg s1  }
0x15: {  	p2 =	slt.u32 s21, $0x32;
	s24 =	sadd.s32 $0x4C00, s12;
	[dreg:$0x7] =	wrdreg s6  }
.Ltmp0:
0x16: {  	s18 =	simm.s32 $0x0;
	[dreg:$0x8] =	wrdreg s23;
	(pc) =	sbr.rel .LBB2_1-.Ltmp0, $4  }
0x17: {  	s1 =	simm.s32 $0x139C0;
	s26 =	sshrl.u32 s15, $0x2;
	s15 =	sadd.s32 s17, s20  }
0x18: {  	[dreg:$0x5] =	wrdreg s25;
	s17 =	sadd.s32 s17, s25;
	s25 =	sadd.s32 s22, s19  }
0x19: {  	s16 =	sadd.s32 s26, s2;
	[dreg:$0xa] =	wrdreg s25;
	s26 =	sadd.s32 s22, s20  }
0x1a: {  	s25 =	sadd.s32 $0xEA00, s12;
	[dreg:$0xb] =	wrdreg s26;
	s26 =	sor.u32 $0x1C02, s10  }
.LBB2_6:
0x1b: {  	s5 =	sadd.s32 s21, s10;
	s6 =	rddreg [dreg:$0x5]  }
0x1c: {  	s23 =	sshrl.u32 s16, $0x3;
	s6 =	sadd.s32 s12, s6;
	s5 =	sadd.s32 $0x1C00, s5  }
0x1d: {  	[hbm:s6], [sflag:s5] =	dma.local [spmem:s23], $0xC80  }
0x1e: {  	_ =	swait.ge [sflag:s21], $0xC80  }
0x1f: {  	[sflag:s21] =	ssyncset.done $0x0  }
0x20: {  	[sflag:s21] =	ssyncadd.s32 $0xFFFFF380  }
.LBB2_7:
0x21: {  	s18 =	sadd.s32 $0x1, s18  }
0x22: {  	p3 =	sne.s32 s18, s7  }
.Ltmp1:
0x23: {  	_ = 	snop;
	(pc) =	sbr.rel @!p3 .LBB2_8-.Ltmp1, $1  }
0x24: {  	_ =	sdelay $0x3  }
.LBB2_1:
0x25: {  	s21 =	sshrl.u32 s8, $0x3  }
0x26: {  	[spmem:s21], [sflag:s26] =	dma.local [hbm:s9], $0xC80  }
0x27: {  	_ =	swait.ge [sflag:s28], $0xC80  }
0x28: {  	[sflag:s28] =	ssyncset.done $0x0  }
0x29: {  	s20 =	sshrl.u32 s11, $0x3;
	[sflag:s28] =	ssyncadd.s32 $0xFFFFF380  }
0x2a: {  	[spmem:s20], [sflag:s26] =	dma.local [hbm:s13], $0xC80  }
0x2b: {  	_ =	swait.ge [sflag:s28], $0xC80  }
0x2c: {  	[sflag:s28] =	ssyncset.done $0x0  }
0x2d: {  	s19 =	sshrl.u32 s14, $0x3;
	[sflag:s28] =	ssyncadd.s32 $0xFFFFF380  }
0x2e: {  	[spmem:s19], [sflag:s26] =	dma.local [hbm:s15], $0xC80  }
0x2f: {  	_ =	swait.ge [sflag:s28], $0xC80  }
0x30: {  	[sflag:s28] =	ssyncset.done $0x0  }
0x31: {  	s12 =	sshrl.u32 @!p1 s16, $0x3;
	[sflag:s28] =	ssyncadd.s32 $0xFFFFF380  }
0x32: {  	[spmem:s12], [sflag:s26] =	dma.local @!p1 [hbm:s17], $0xC80  }
0x33: {  	s12 =	simm.s32 @!p1 $0x2  }
0x34: {  	_ =	swait.ge @!p1 [sflag:s12], $0xC80  }
0x35: {  	[sflag:s12] =	ssyncset.done @!p1 $0x0  }
0x36: {  	[sflag:s12] =	ssyncadd.s32 @!p1 $0xFFFFF380  }
0x37: {  	s22 =	sadd.s32 $0x0, s25;
	[bflag:$0x0] =	sbarrier.arrive $0xFFFF  }
0x38: {  	[tilespmem:s29], [sflag:$0x2] =	stream.linear.gather [hbm4b:s22+s3], $0x50, $0x38;
	[tilespmem:$0x161C0] =	vst v63  }
0x39: {  	_ =	swait.ge [sflag:s28], $0x50  }
0x3a: {  	[sflag:s28] =	ssyncset.done $0x0  }
0x3b: {  	s23 =	sadd.s32 $0x0, s24;
	[sflag:s28] =	ssyncadd.s32 $0xFFFFFFB0  }
0x3c: {  	[tilespmem:s30], [sflag:$0x2] =	stream.linear.gather [hbm4b:s23+s3], $0x50, $0x38;
	[tilespmem:$0x161C0] =	vst v63  }
0x3d: {  	_ =	swait.ge [sflag:s28], $0x50  }
0x3e: {  	[sflag:s28] =	ssyncset.done $0x0  }
0x3f: {  	[sflag:s28] =	ssyncadd.s32 $0xFFFFFFB0  }
0x40: {  	[tilespmem:s1], [sflag:$0x1] =	stream.indirect.gather [hbm4b:s4+s31], $0x80, s29, s31, $0xb8;
	[tilespmem:$0x161C0] =	vst v63  }
0x41: {  	_ =	swait.ge [sflag:s0], $0x2800  }
0x42: {  	[sflag:s0] =	ssyncset.done $0x0  }
0x43: {  	[sflag:s0] =	ssyncadd.s32 $0xFFFFD800  }
0x44: {  	[spmem:s2] =	stream.indirect.scatter.add.f32 [tilespmem:s1], [sflag:$0x2], $0x80, s30, s31, $0xb8;
	[tilespmem:$0x161C0] =	vst v63  }
0x45: {  	_ =	swait.ge [sflag:s28], $0x2800  }
0x46: {  	s12 =	simm.s32 $0x14;
	s22 =	simm.s32 $0xA;
	[sflag:s28] =	ssyncset.done $0x0  }
.LBB2_2:
0x47: {  	s23 =	sadd.s32 s22, s25  }
0x48: {  	[sflag:s28] =	ssyncadd.s32 $0xFFFFD800;
	s5 =	smov.u32 s12;
	s6 =	sadd.s32 $0xA, s12  }
0x49: {  	[tilespmem:s29], [sflag:$0x2] =	stream.linear.gather [hbm4b:s23+s3], $0x50, $0x38;
	[tilespmem:$0x161C0] =	vst v63  }
0x4a: {  	p3 =	sne.s32 s12, $0x4D8;
	_ =	swait.ge [sflag:s28], $0x50  }
0x4b: {  	[sflag:s28] =	ssyncset.done $0x0  }
0x4c: {  	s12 =	sadd.s32 s22, s24;
	s22 =	smov.u32 s5;
	[sflag:s28] =	ssyncadd.s32 $0xFFFFFFB0  }
0x4d: {  	[tilespmem:s30], [sflag:$0x2] =	stream.linear.gather [hbm4b:s12+s3], $0x50, $0x38;
	[tilespmem:$0x161C0] =	vst v63  }
0x4e: {  	_ =	swait.ge [sflag:s28], $0x50  }
0x4f: {  	[sflag:s28] =	ssyncset.done $0x0  }
0x50: {  	[sflag:s28] =	ssyncadd.s32 $0xFFFFFFB0  }
0x51: {  	[tilespmem:s1], [sflag:$0x1] =	stream.indirect.gather [hbm4b:s4+s31], $0x80, s29, s31, $0xb8;
	[tilespmem:$0x161C0] =	vst v63  }
0x52: {  	_ =	swait.ge [sflag:s0], $0x2800  }
.Ltmp2:
0x53: {  	[sflag:s0] =	ssyncset.done $0x0;
	(pc) =	sbr.rel @p3 .LBB2_2-.Ltmp2, $4  }
0x54: {  	[sflag:s0] =	ssyncadd.s32 $0xFFFFD800  }
0x55: {  	[spmem:s2] =	stream.indirect.scatter.add.f32 [tilespmem:s1], [sflag:$0x2], $0x80, s30, s31, $0xb8;
	[tilespmem:$0x161C0] =	vst v63  }
0x56: {  	_ =	swait.ge [sflag:s28], $0x2800  }
0x57: {  	s12 =	smov.u32 s6;
	[sflag:s28] =	ssyncset.done $0x0  }
0x58: {  	s5 =	sadd.s32 s22, s25;
	[sflag:s28] =	ssyncadd.s32 $0xFFFFD800  }
0x59: {  	[tilespmem:s29], [sflag:$0x2] =	stream.linear.gather [hbm4b:s5+s3], $0x50, $0x38;
	[tilespmem:$0x161C0] =	vst v63  }
0x5a: {  	_ =	swait.ge [sflag:s28], $0x50  }
0x5b: {  	[sflag:s28] =	ssyncset.done $0x0  }
0x5c: {  	s23 =	sadd.s32 s22, s24;
	[sflag:s28] =	ssyncadd.s32 $0xFFFFFFB0  }
0x5d: {  	[tilespmem:s30], [sflag:$0x2] =	stream.linear.gather [hbm4b:s23+s3], $0x50, $0x38;
	[tilespmem:$0x161C0] =	vst v63  }
0x5e: {  	_ =	swait.ge [sflag:s28], $0x50  }
0x5f: {  	[sflag:s28] =	ssyncset.done $0x0  }
0x60: {  	[sflag:s28] =	ssyncadd.s32 $0xFFFFFFB0  }
0x61: {  	[tilespmem:s1], [sflag:$0x1] =	stream.indirect.gather [hbm4b:s4+s31], $0x80, s29, s31, $0xb8;
	[tilespmem:$0x161C0] =	vst v63  }
0x62: {  	_ =	swait.ge [sflag:s0], $0x2800  }
0x63: {  	[sflag:s0] =	ssyncset.done $0x0  }
0x64: {  	[sflag:s0] =	ssyncadd.s32 $0xFFFFD800  }
0x65: {  	[spmem:s2] =	stream.indirect.scatter.add.f32 [tilespmem:s1], [sflag:$0x2], $0x80, s30, s31, $0xb8;
	[tilespmem:$0x161C0] =	vst v63  }
.Ltmp3:
0x66: {  	_ =	swait.ge [sflag:s28], $0x2800;
	(pc) =	sbr.rel @!p0 .LBB2_5-.Ltmp3, $3  }
0x67: {  	[sflag:s28] =	ssyncset.done $0x0  }
0x68: {  	[sflag:s28] =	ssyncadd.s32 $0xFFFFD800  }
0x69: {  	[bflag:$0x0] =	sbarrier.arrive $0xFFFF;
	_ =	sdelay $0x1  }
0x6a: {  	s5 =	rddreg [dreg:$0x9]  }
0x6b: {  	[hbm:s5], [sflag:s26] =	dma.local [spmem:s21], $0xC80  }
0x6c: {  	s21 =	simm.s32 $0x2  }
0x6d: {  	_ =	swait.ge [sflag:s21], $0xC80  }
0x6e: {  	[sflag:s21] =	ssyncset.done $0x0  }
0x6f: {  	s22 =	rddreg [dreg:$0xa];
	[sflag:s21] =	ssyncadd.s32 $0xFFFFF380  }
0x70: {  	[hbm:s22], [sflag:s26] =	dma.local [spmem:s20], $0xC80  }
0x71: {  	_ =	swait.ge [sflag:s21], $0xC80  }
0x72: {  	[sflag:s21] =	ssyncset.done $0x0  }
0x73: {  	s23 =	rddreg [dreg:$0xb];
	[sflag:s21] =	ssyncadd.s32 $0xFFFFF380  }
0x74: {  	[hbm:s23], [sflag:s26] =	dma.local [spmem:s19], $0xC80  }
.Ltmp4:
0x75: {  	_ = 	snop;
	(pc) =	sbr.rel @p2 .LBB2_6-.Ltmp4, $4  }
.Ltmp5:
0x76: {  	_ = 	snop;
	(pc) =	sbr.rel @!p2 .LBB2_7-.Ltmp5, $4  }
0x77: {  	_ =	swait.ge [sflag:s21], $0xC80  }
0x78: {  	[sflag:s21] =	ssyncset.done $0x0  }
0x79: {  	s12 =	rddreg [dreg:$0x4];
	[sflag:s21] =	ssyncadd.s32 $0xFFFFF380  }
0x7a: {  	_ = 	snop  }
.LBB2_5:
0x7b: {  	s5 =	sor.u32 $0x1C03, s10;
	s6 =	rddreg [dreg:$0x6]  }
0x7c: {  	[hbm:s6], [sflag:s5] =	dma.local [spmem:s21], $0xC80  }
0x7d: {  	s21 =	simm.s32 $0x3  }
0x7e: {  	_ =	swait.ge [sflag:s21], $0xC80  }
0x7f: {  	[sflag:s21] =	ssyncset.done $0x0  }
0x80: {  	s22 =	rddreg [dreg:$0x7];
	[sflag:s21] =	ssyncadd.s32 $0xFFFFF380  }
0x81: {  	[hbm:s22], [sflag:s5] =	dma.local [spmem:s20], $0xC80  }
0x82: {  	_ =	swait.ge [sflag:s21], $0xC80  }
0x83: {  	[sflag:s21] =	ssyncset.done $0x0  }
0x84: {  	s23 =	rddreg [dreg:$0x8];
	[sflag:s21] =	ssyncadd.s32 $0xFFFFF380  }
0x85: {  	[hbm:s23], [sflag:s5] =	dma.local [spmem:s19], $0xC80  }
.Ltmp6:
0x86: {  	_ = 	snop;
	(pc) =	sbr.rel @p1 .LBB2_7-.Ltmp6, $4  }
.Ltmp7:
0x87: {  	_ = 	snop;
	(pc) =	sbr.rel @!p1 .LBB2_6-.Ltmp7, $4  }
0x88: {  	_ =	swait.ge [sflag:s21], $0xC80  }
0x89: {  	[sflag:s21] =	ssyncset.done $0x0  }
0x8a: {  	s12 =	rddreg [dreg:$0x3];
	[sflag:s21] =	ssyncadd.s32 $0xFFFFF380  }
0x8b: {  	_ = 	snop  }
.LBB2_8:
0x8c: {  	_ =	sfence.sel $0x180000  }
0x8d: {  	[bflag:$0x0] =	sbarrier.arrive $0xFFFF  }
0x8e: {  	_ =	strace $0x9000004D  }
0x8f: {  	s0 =	stileid.u32;
	[bflag:$0x2] =	sbarrier.arrive $0xFFFF  }
0x90: {  	p0 =	sne.s32 s0, $0x0;
	s0 =	rddreg [dreg:$0x2]  }
0x91: {  	s0 =	sadd.s32 @!p0 $0x100000, s0  }
0x92: {  	[sflag:s0] =	ssyncadd.tile.s32 @!p0 $0x1;
	_ =	shalt  }
.Lfunc_end2:
_tile_overlayer_lowered:
.L_overlay_start_2:
0x93: {  	(tag) =	ssettag $0x2  }
0x94: {  	s0 =	rddreg [dreg:$0x0];
	s2 =	stileid.u32  }
0x95: {  	s1 =	rddreg [dreg:$0x1];
	p0 =	sne.s32 s2, $0x0  }
0x96: {  	s3 =	rddreg [dreg:$0x2];
	[bflag:$0x3] =	sbarrier.arrive $0xFFFF;
	s2 =	simm.s32 @!p0 $0x1C02  }
0x97: {  	[timem:s3], [sflag:s2] =	dma.local @!p0 [hbm:s0], s1  }
0x98: {  	s0 =	simm.s32 @!p0 $0x2  }
0x99: {  	_ =	swait.ge @!p0 [sflag:s0], s1  }
0x9a: {  	s1 =	ssub.s32 @!p0 $0x0, s1;
	[sflag:s0] =	ssyncset.done @!p0 $0x0  }
0x9b: {  	[sflag:s0] =	ssyncadd.s32 @!p0 s1  }
0x9c: {  	[bflag:$0x3] =	sbarrier.arrive $0xFFFF  }
0x9d: {  	_ =	shalt  }

// kernel: kernel.9.cloned.1.call-start
scs
__scs_entry_jumppad:
0x0: {  	(pc) =	sbr.rel $0x88, $3  }
0x1: {  	(tag) =	ssettag $0x0;
	lr =	simm.s32 $0x1  }
0x2: {  	[smem:$0x3F8E] =	sst lr;
	_ =	strace $0xD0000000  }
0x3: {  	_ = 	snop  }
0x4: {  	_ = 	snop  }
0x5: {  	_ = 	snop  }
0x6: {  	_ = 	snop  }
0x7: {  	_ = 	snop  }
__scs_overlays_trampoline_lowered:
0x8: {  	[smem:$0x3F9D] =	sst s0  }
0x9: {  	[smem:$0x3F9E] =	sst s1  }
0xa: {  	[smem:$0x3F9F] =	sst s2  }
0xb: {  	[smem:$0x3FA0] =	sst s3  }
0xc: {  	[smem:$0x3FA1] =	sst s4  }
0xd: {  	[smem:$0x3FA2] =	sst s5  }
0xe: {  	[smem:$0x3FA3] =	sst s6  }
0xf: {  	[smem:$0x3FA4] =	sst s7  }
0x10: {  	[smem:$0x3FA5] =	sst s8  }
0x11: {  	[smem:$0x3FA6] =	sst s9;
	s0 =	simm.s32 @!p0 $0x0  }
0x12: {  	s1 =	sld [smem:$0x3F8C];
	s0 =	simm.s32 @p0 $0x1  }
0x13: {  	[smem:$0x3FA7] =	sst s0;
	s0 =	simm.s32 @!p1 $0x0  }
0x14: {  	s2 =	sld [smem:$0x3F8B];
	s0 =	simm.s32 @p1 $0x1  }
0x15: {  	[smem:$0x3FA8] =	sst s0;
	s0 =	simm.s32 @!p2 $0x0  }
0x16: {  	s3 =	sld [smem:$0x3FDB];
	s0 =	simm.s32 @p2 $0x1  }
0x17: {  	s4 =	simm.s32 $0x1BF5;
	[smem:$0x3FAA] =	sst s0  }
0x18: {  	s0 =	sld [smem:$0x3F8D];
	_ =	swait.ge [sflag:s4], $0x0  }
0x19: {  	s7 =	sld [smem:$0x3F8E]  }
0x1a: {  	s8 =	sadd.s32 $0xFFFFE003, lr  }
0x1b: {  	s9 =	sadd.s32 $0xFFFFFEF7, lr;
	s5 =	simm.s32 $0xFFFFFFFF;
	p2 =	slt.u32 s8, $0xFFFFF086  }
0x1c: {  	p1 =	slt.u32 s9, $0xF7A;
	s5 =	simm.s32 @!p2 $0x0  }
0x1d: {  	s5 =	simm.s32 @p1 $0x1;
	p0 =	seq.s32 s7, s2  }
0x1e: {  	s7 =	smul.u32 @!p0 $0xF7A, s2;
	p2 =	seq.s32 @!p0 s5, $0x0  }
0x1f: {  	s9 =	smul.u32 $0xF7A, s1;
	s8 =	simm.s32 @!p0 $0x1BF5;
	p2 =	por !p2, p0  }
0x20: {  	[sflag:s8] =	ssyncset.s32 @!p0 $0xFFFFF086;
	s6 =	sadd.s32 @!p0 s3, s7;
	s7 =	simm.s32 @!p0 $0x108  }
0x21: {  	s3 =	sadd.s32 s3, s9;
	s6 =	sadd.s32 @!p0 $0x88, s6;
	s7 =	simm.s32 @p2 $0x1082  }
0x22: {  	[simem:s7], [sflag:s8] =	dma.local @!p0 [hbm:s6], $0xF7A  }
0x23: {  	s9 =	sor.u32 $0xD0000000, s2;
	s6 =	simm.s32 $0x108;
	_ =	swait.ge @!p0 [sflag:s8], $0x0  }
0x24: {  	s3 =	sadd.s32 $0x88, s3;
	s6 =	simm.s32 @!p1 $0x1082;
	[sflag:s4] =	ssyncset.s32 $0xFFFFF086  }
0x25: {  	[simem:s6], [sflag:s4] =	dma.local [hbm:s3], $0xF7A  }
0x26: {  	[smem:$0x3F8E] =	sst s1;
	(tag) =	ssettag s2;
	_ =	strace s9  }
0x27: {  	s1 =	sld [smem:$0x3F9E]  }
0x28: {  	s2 =	sld [smem:$0x3F9F]  }
0x29: {  	s4 =	sld [smem:$0x3FA1]  }
0x2a: {  	p0 =	seq.s32 s5, $0x0;
	s5 =	sld [smem:$0x3FA2]  }
0x2b: {  	s6 =	sld [smem:$0x3FA3]  }
0x2c: {  	s7 =	sld [smem:$0x3FA4]  }
0x2d: {  	s3 =	simm.s32 $0x108;
	s8 =	sld [smem:$0x3FA5]  }
0x2e: {  	s3 =	simm.s32 @!p0 $0x1082;
	s9 =	sld [smem:$0x3FA6]  }
0x2f: {  	lr =	sadd.s32 s0, s3;
	s0 =	sld [smem:$0x3F9D]  }
0x30: {  	s3 =	sld [smem:$0x3FA0]  }
0x31: {  	[smem:$0x3FA9] =	sst s10  }
0x32: {  	s10 =	sld [smem:$0x3FA7];
	_ =	sdelay $0x3  }
0x33: {  	p0 =	seq.s32 s10, $0x1;
	s10 =	sld [smem:$0x3FA9];
	_ =	sdelay $0x3  }
0x34: {  	[smem:$0x3FA9] =	sst s10  }
0x35: {  	s10 =	sld [smem:$0x3FA8];
	_ =	sdelay $0x3  }
0x36: {  	p1 =	seq.s32 s10, $0x1;
	s10 =	sld [smem:$0x3FA9];
	_ =	sdelay $0x3  }
0x37: {  	[smem:$0x3FA9] =	sst s10  }
0x38: {  	s10 =	sld [smem:$0x3FAA]  }
0x39: {  	_ = 	snop;
	(pc) =	sbr.ind lr, $3  }
0x3a: {  	_ = 	snop  }
0x3b: {  	_ = 	snop  }
0x3c: {  	p2 =	seq.s32 s10, $0x1;
	s10 =	sld [smem:$0x3FA9]  }
0x3d: {  	_ =	shalt  }
0x3e: {  	_ =	shalt  }
0x3f: {  	_ =	shalt  }
0x40: {  	_ =	shalt  }
0x41: {  	_ =	shalt  }
0x42: {  	_ =	shalt  }
0x43: {  	_ =	shalt  }
0x44: {  	_ =	shalt  }
0x45: {  	_ =	shalt  }
0x46: {  	_ =	shalt  }
0x47: {  	_ =	shalt  }
0x48: {  	_ =	shalt  }
0x49: {  	_ =	shalt  }
0x4a: {  	_ =	shalt  }
0x4b: {  	_ =	shalt  }
0x4c: {  	_ =	shalt  }
0x4d: {  	_ =	shalt  }
0x4e: {  	_ =	shalt  }
0x4f: {  	_ =	shalt  }
0x50: {  	_ =	shalt  }
0x51: {  	_ =	shalt  }
0x52: {  	_ =	shalt  }
0x53: {  	_ =	shalt  }
0x54: {  	_ =	shalt  }
0x55: {  	_ =	shalt  }
0x56: {  	_ =	shalt  }
0x57: {  	_ =	shalt  }
0x58: {  	_ =	shalt  }
0x59: {  	_ =	shalt  }
0x5a: {  	_ =	shalt  }
0x5b: {  	_ =	shalt  }
0x5c: {  	_ =	shalt  }
0x5d: {  	_ =	shalt  }
0x5e: {  	_ =	shalt  }
0x5f: {  	_ =	shalt  }
0x60: {  	_ =	shalt  }
0x61: {  	_ =	shalt  }
0x62: {  	_ =	shalt  }
0x63: {  	_ =	shalt  }
0x64: {  	_ =	shalt  }
0x65: {  	_ =	shalt  }
0x66: {  	_ =	shalt  }
0x67: {  	_ =	shalt  }
0x68: {  	_ =	shalt  }
0x69: {  	_ =	shalt  }
0x6a: {  	_ =	shalt  }
0x6b: {  	_ =	shalt  }
0x6c: {  	_ =	shalt  }
0x6d: {  	_ =	shalt  }
0x6e: {  	_ =	shalt  }
0x6f: {  	_ =	shalt  }
0x70: {  	_ =	shalt  }
0x71: {  	_ =	shalt  }
0x72: {  	_ =	shalt  }
0x73: {  	_ =	shalt  }
0x74: {  	_ =	shalt  }
0x75: {  	_ =	shalt  }
0x76: {  	_ =	shalt  }
0x77: {  	_ =	shalt  }
0x78: {  	_ =	shalt  }
0x79: {  	_ =	shalt  }
0x7a: {  	_ =	shalt  }
0x7b: {  	_ =	shalt  }
0x7c: {  	_ =	shalt  }
0x7d: {  	_ =	shalt  }
0x7e: {  	_ =	shalt  }
0x7f: {  	_ =	shalt  }
0x80: {  	_ =	shalt  }
0x81: {  	_ =	shalt  }
0x82: {  	_ =	shalt  }
0x83: {  	_ =	shalt  }
0x84: {  	_ =	shalt  }
0x85: {  	_ =	shalt  }
0x86: {  	_ =	shalt  }
0x87: {  	_ =	shalt  }
.Lfunc_end0:
.L_simem_size_0:
called_computation_lowered:
.L_overlay_start_0:
0x88: {  	s2 =	sld [smem:$0x3FD9]  }
0x89: {  	s3 =	sld [smem:$0x3FFE];
	_ =	sdelay $0x1  }
0x8a: {  	s1 =	srdreg.scid  }
0x8b: {  	s0 =	sand.u32 $0x1, s1  }
0x8c: {  	s17 =	sshll.u32 s0, $0xA;
	s2 =	sadd.s32 s3, s2  }
0x8d: {  	s2 =	sadd.s32 s2, s17  }
0x8e: {  	[smem:$0x3FB5] =	sst s2  }
0x8f: {  	_ = 	snop  }
0x90: {  	s2 =	sld [smem:$0x3FC9];
	(tm) =	ssettm $0x1  }
0x91: {  	s18 =	sld [smem:$0x3FFB];
	_ =	sdelay $0x3  }
0x92: {  	_ =	strace s18  }
0x93: {  	s3 =	sld [smem:$0x3FFC];
	_ =	sdelay $0x3  }
0x94: {  	_ =	strace s3  }
0x95: {  	s3 =	sld [smem:$0x3FFD];
	_ =	sdelay $0x3  }
0x96: {  	_ =	strace s3  }
0x97: {  	_ =	strace $0x8FFFFFFF  }
0x98: {  	s19 =	sld [smem:$0x3FDB];
	_ =	sdelay $0x1  }
0x99: {  	s4 =	simm.s32 $_scs_section_size  }
0x9a: {  	s5 =	simm.s32 $_size__tile_overlayer_lowered;
	s6 =	simm.s32 $_tile_overlayer_lowered  }
0x9b: {  	s22 =	simm.s32 $0x1BFF;
	s21 =	sshll.u32 s6, $0x1;
	s3 =	sadd.s32 s4, s19  }
0x9c: {  	s7 =	simm.s32 $0x0;
	s20 =	sshll.u32 s5, $0x1;
	s5 =	sadd.s32 s21, s3  }
0x9d: {  	[timem:s7], [sflag:s22] =	dma.local [hbm:s5], s20  }
0x9e: {  	_ =	swait.ge [sflag:s22], s20  }
0x9f: {  	s4 =	ssub.s32 $0x0, s20;
	[sflag:s22] =	ssyncset.done $0x0  }
0xa0: {  	[sflag:s22] =	ssyncadd.s32 s4;
	_ =	sdelay $0x1  }
0xa1: {  	s23 =	simm.s32 $0x1B8B  }
0xa2: {  	_ =	swait.ge [sflag:s23], $0x1  }
0xa3: {  	[sflag:s23] =	ssyncset.done $0x0  }
0xa4: {  	s25 =	simm.s32 $0x1B8E;
	s24 =	sld [smem:$0x3FFE];
	[sflag:s23] =	ssyncadd.s32 $0xFFFFFFFF  }
0xa5: {  	s26 =	simm.s32 $execute0_lowered;
	[smem:$0x3FD2] =	sst s25  }
0xa6: {  	s5 =	sshll.u32 s26, $0x1;
	_ =	strace $0x80000046;
	[dreg:$0x1] =	wrdreg $0xFFFFFFFF  }
0xa7: {  	s28 =	simm.s32 $_size_execute0_lowered;
	s3 =	sadd.s32 s3, s5;
	[dreg:$0x0] =	wrdreg $0x0  }
0xa8: {  	s5 =	sshll.u32 s28, $0x1;
	[dreg:$0x2] =	wrdreg s3  }
0xa9: {  	[dreg:$0x3] =	wrdreg s5  }
0xaa: {  	[dreg:$0x4] =	wrdreg $0xC0  }
0xab: {  	_ =	task [dreg:s7], $0x5FFFF  }
0xac: {  	[dreg:$0x1] =	wrdreg $0xFFFFFFFF  }
0xad: {  	[dreg:$0x0] =	wrdreg $0x60  }
0xae: {  	[dreg:$0x2] =	wrdreg s2  }
0xaf: {  	[dreg:$0x3] =	wrdreg s24  }
0xb0: {  	[dreg:$0x4] =	wrdreg $0x0  }
0xb1: {  	[dreg:$0x5] =	wrdreg $0x9  }
0xb2: {  	_ =	task.clear_ibuf [dreg:s7], $0x6FFFF;
	_ =	strace $0x90000046  }
0xb3: {  	s29 =	simm.s32 $0x9;
	_ =	strace $0x80000048  }
0xb4: {  	_ =	swait.ge [sflag:s29], $0x1  }
0xb5: {  	[sflag:s29] =	ssyncadd.s32 $0xFFFFFFFF  }
0xb6: {  	_ =	strace $0x90000048  }
0xb7: {  	_ =	sfence  }
0xb8: {  	s30 =	sld [smem:$0x0];
	_ =	sdelay $0x2  }
0xb9: {  	s31 =	sshll.u32 s1, $0xD;
	s1 =	sshrl.u32 s1, $0x2  }
0xba: {  	s3 =	sand.u32 $0x4000, s31;
	s1 =	sadd.s32 s1, s30  }
0xbb: {  	s0 =	sor.u32 s3, s0;
	s1 =	sshll.u32 s1, $0x11  }
0xbc: {  	s0 =	sor.u32 s1, s0  }
0xbd: {  	s0 =	sadd.s32 $0x8F2B, s0  }
0xbe: {  	[sflag:s0] =	ssyncadd.remote.s32 $0x1  }
0xbf: {  	_ =	sfence.sel $0xFFFF  }
0xc0: {  	[dreg:$0x0] =	wrdreg $0xFFFFFFFF;
	(pc) =	sbr.abs _section_cstart, $3  }
0xc1: {  	[dreg:$0x1] =	wrdreg $0xFFFFFFFF  }
0xc2: {  	_ =	task.clear_ibuf [dreg:s7], $0x2FFFF;
	_ =	strace $0x9FFFFFFF  }
0xc3: {  	(tm) =	ssettm $0x7FFFFFFF  }
tec
execute0_lowered:
.L_overlay_start_1:
0x0: {  	(tag) =	ssettag $0x1  }
0x1: {  	s1 =	rddreg [dreg:$0x0]  }
0x2: {  	s0 =	srdreg.scid;
	s11 =	stileid.u32  }
0x3: {  	s2 =	rddreg [dreg:$0x1];
	s6 =	smul.u32 $0x2710, s11  }
0x4: {  	s3 =	rddreg [dreg:$0x2];
	s4 =	simm.s32 $0x0;
	s7 =	smul.u32 $0x19000, s11  }
0x5: {  	s28 =	simm.s32 $0x2;
	s0 =	sand.u32 $0x1, s0;
	s18 =	smul.u32 $0xC80, s11  }
0x6: {  	s29 =	simm.s32 $0x138C0;
	s9 =	sor.u32 $0x10, s11;
	s5 =	smul.u32 $0x27100, s0  }
0x7: {  	s30 =	simm.s32 $0x13940;
	s31 =	simm.s32 $0x50;
	s16 =	smul.u32 $0x19000, s9  }
0x8: {  	[smem:$0x7FF] =	sst s4;
	s10 =	sor.u32 $0x20, s11;
	s19 =	smul.u32 $0xC80, s9  }
0x9: {  	s17 =	sadd.s32 $0x18800, s2;
	s21 =	sor.u32 $0x30, s11;
	s23 =	smul.u32 $0x19000, s10  }
0xa: {  	_ =	strace $0x80000047;
	s15 =	ssub.s32 $0x2, s0;
	s20 =	smul.u32 $0xC80, s10  }
0xb: {  	p0 =	seq.s32 s0, $0x1;
	s10 =	sshll.u32 s11, $0x6;
	s25 =	smul.u32 $0xC80, s21  }
0xc: {  	p1 =	sgt.u32 s21, $0x31;
	p2 =	slt.u32 s21, $0x32;
	s8 =	sshrl.u32 s15, $0x1  }
0xd: {  	s22 =	sshrl.u32 s7, $0x2;
	s9 =	sadd.s32 s17, s18;
	s5 =	sadd.s32 s6, s5  }
0xe: {  	s6 =	sadd.s32 $0x66C00, s2;
	s0 =	sshrl.u32 s16, $0x2;
	s24 =	sshrl.u32 s23, $0x2  }
0xf: {  	s13 =	sadd.s32 s17, s19;
	[dreg:$0x6] =	wrdreg s25;
	s5 =	sshrl.u32 s5, $0x3  }
0x10: {  	s11 =	sadd.s32 s0, s3;
	s14 =	sadd.s32 s24, s3;
	s24 =	sadd.s32 s6, s18  }
0x11: {  	[dreg:$0x5] =	wrdreg s6;
	s0 =	simm.s32 $0x1;
	s12 =	sadd.s32 s5, s2  }
0x12: {  	s5 =	sadd.s32 $0x3FA00, s2;
	s2 =	ssub.s32 s15, s8;
	s8 =	sadd.s32 s22, s3  }
0x13: {  	s15 =	smul.u32 $0x19000, s21;
	[dreg:$0xa] =	wrdreg s24;
	s7 =	smax.u32 s2, $0x1  }
0x14: {  	s2 =	sadd.s32 s5, s18;
	s22 =	sadd.s32 s5, s19;
	[dreg:$0x4] =	wrdreg s5  }
0x15: {  	s23 =	sadd.s32 s5, s20;
	s24 =	sadd.s32 $0x4C00, s12;
	s18 =	simm.s32 $0x0  }
.Ltmp0:
0x16: {  	s26 =	sshrl.u32 s15, $0x2;
	[dreg:$0x7] =	wrdreg s2;
	(pc) =	sbr.rel .LBB2_1-.Ltmp0, $4  }
0x17: {  	s15 =	sadd.s32 s17, s20;
	s17 =	sadd.s32 s17, s25;
	[dreg:$0x8] =	wrdreg s22  }
0x18: {  	[dreg:$0x9] =	wrdreg s23;
	s25 =	sadd.s32 s6, s19;
	s2 =	simm.s32 $0x139C0  }
0x19: {  	s16 =	sadd.s32 s26, s3;
	[dreg:$0xb] =	wrdreg s25;
	s26 =	sadd.s32 s6, s20  }
0x1a: {  	s25 =	sadd.s32 $0xEA00, s12;
	[dreg:$0xc] =	wrdreg s26;
	s26 =	sor.u32 $0x1C02, s10  }
.LBB2_6:
0x1b: {  	s5 =	sadd.s32 s21, s10;
	s6 =	rddreg [dreg:$0x6]  }
0x1c: {  	s23 =	sshrl.u32 s16, $0x3;
	s6 =	sadd.s32 s12, s6;
	s5 =	sadd.s32 $0x1C00, s5  }
0x1d: {  	[hbm:s6], [sflag:s5] =	dma.local [spmem:s23], $0xC80  }
0x1e: {  	_ =	swait.ge [sflag:s21], $0xC80  }
0x1f: {  	[sflag:s21] =	ssyncset.done $0x0  }
0x20: {  	[sflag:s21] =	ssyncadd.s32 $0xFFFFF380  }
.LBB2_7:
0x21: {  	s18 =	sadd.s32 $0x1, s18  }
0x22: {  	p3 =	sne.s32 s18, s7  }
.Ltmp1:
0x23: {  	_ = 	snop;
	(pc) =	sbr.rel @!p3 .LBB2_8-.Ltmp1, $1  }
0x24: {  	_ =	sdelay $0x3  }
.LBB2_1:
0x25: {  	s21 =	sshrl.u32 s8, $0x3  }
0x26: {  	[spmem:s21], [sflag:s26] =	dma.local [hbm:s9], $0xC80  }
0x27: {  	_ =	swait.ge [sflag:s28], $0xC80  }
0x28: {  	[sflag:s28] =	ssyncset.done $0x0  }
0x29: {  	s20 =	sshrl.u32 s11, $0x3;
	[sflag:s28] =	ssyncadd.s32 $0xFFFFF380  }
0x2a: {  	[spmem:s20], [sflag:s26] =	dma.local [hbm:s13], $0xC80  }
0x2b: {  	_ =	swait.ge [sflag:s28], $0xC80  }
0x2c: {  	[sflag:s28] =	ssyncset.done $0x0  }
0x2d: {  	s19 =	sshrl.u32 s14, $0x3;
	[sflag:s28] =	ssyncadd.s32 $0xFFFFF380  }
0x2e: {  	[spmem:s19], [sflag:s26] =	dma.local [hbm:s15], $0xC80  }
0x2f: {  	_ =	swait.ge [sflag:s28], $0xC80  }
0x30: {  	[sflag:s28] =	ssyncset.done $0x0  }
0x31: {  	s12 =	sshrl.u32 @!p1 s16, $0x3;
	[sflag:s28] =	ssyncadd.s32 $0xFFFFF380  }
0x32: {  	[spmem:s12], [sflag:s26] =	dma.local @!p1 [hbm:s17], $0xC80  }
0x33: {  	s12 =	simm.s32 @!p1 $0x2  }
0x34: {  	_ =	swait.ge @!p1 [sflag:s12], $0xC80  }
0x35: {  	[sflag:s12] =	ssyncset.done @!p1 $0x0  }
0x36: {  	[sflag:s12] =	ssyncadd.s32 @!p1 $0xFFFFF380  }
0x37: {  	s22 =	sadd.s32 $0x0, s25;
	[bflag:$0x0] =	sbarrier.arrive $0xFFFF  }
0x38: {  	[tilespmem:s29], [sflag:$0x2] =	stream.linear.gather [hbm4b:s22+s4], $0x50, $0x38;
	[tilespmem:$0x161C0] =	vst v63  }
0x39: {  	_ =	swait.ge [sflag:s28], $0x50  }
0x3a: {  	[sflag:s28] =	ssyncset.done $0x0  }
0x3b: {  	s23 =	sadd.s32 $0x0, s24;
	[sflag:s28] =	ssyncadd.s32 $0xFFFFFFB0  }
0x3c: {  	[tilespmem:s30], [sflag:$0x2] =	stream.linear.gather [hbm4b:s23+s4], $0x50, $0x38;
	[tilespmem:$0x161C0] =	vst v63  }
0x3d: {  	_ =	swait.ge [sflag:s28], $0x50  }
0x3e: {  	[sflag:s28] =	ssyncset.done $0x0  }
0x3f: {  	[sflag:s28] =	ssyncadd.s32 $0xFFFFFFB0  }
0x40: {  	[tilespmem:s2], [sflag:$0x1] =	stream.indirect.gather [hbm4b:s1+s31], $0x80, s29, s31, $0xb8;
	[tilespmem:$0x161C0] =	vst v63  }
0x41: {  	_ =	swait.ge [sflag:s0], $0x2800  }
0x42: {  	[sflag:s0] =	ssyncset.done $0x0  }
0x43: {  	[sflag:s0] =	ssyncadd.s32 $0xFFFFD800  }
0x44: {  	[spmem:s3] =	stream.indirect.scatter.add.f32 [tilespmem:s2], [sflag:$0x2], $0x80, s30, s31, $0xb8;
	[tilespmem:$0x161C0] =	vst v63  }
0x45: {  	_ =	swait.ge [sflag:s28], $0x2800  }
0x46: {  	s12 =	simm.s32 $0x14;
	s22 =	simm.s32 $0xA;
	[sflag:s28] =	ssyncset.done $0x0  }
.LBB2_2:
0x47: {  	s23 =	sadd.s32 s22, s25  }
0x48: {  	[sflag:s28] =	ssyncadd.s32 $0xFFFFD800;
	s5 =	smov.u32 s12;
	s6 =	sadd.s32 $0xA, s12  }
0x49: {  	[tilespmem:s29], [sflag:$0x2] =	stream.linear.gather [hbm4b:s23+s4], $0x50, $0x38;
	[tilespmem:$0x161C0] =	vst v63  }
0x4a: {  	p3 =	sne.s32 s12, $0x4D8;
	_ =	swait.ge [sflag:s28], $0x50  }
0x4b: {  	[sflag:s28] =	ssyncset.done $0x0  }
0x4c: {  	s12 =	sadd.s32 s22, s24;
	s22 =	smov.u32 s5;
	[sflag:s28] =	ssyncadd.s32 $0xFFFFFFB0  }
0x4d: {  	[tilespmem:s30], [sflag:$0x2] =	stream.linear.gather [hbm4b:s12+s4], $0x50, $0x38;
	[tilespmem:$0x161C0] =	vst v63  }
0x4e: {  	_ =	swait.ge [sflag:s28], $0x50  }
0x4f: {  	[sflag:s28] =	ssyncset.done $0x0  }
0x50: {  	[sflag:s28] =	ssyncadd.s32 $0xFFFFFFB0  }
0x51: {  	[tilespmem:s2], [sflag:$0x1] =	stream.indirect.gather [hbm4b:s1+s31], $0x80, s29, s31, $0xb8;
	[tilespmem:$0x161C0] =	vst v63  }
0x52: {  	_ =	swait.ge [sflag:s0], $0x2800  }
.Ltmp2:
0x53: {  	[sflag:s0] =	ssyncset.done $0x0;
	(pc) =	sbr.rel @p3 .LBB2_2-.Ltmp2, $4  }
0x54: {  	[sflag:s0] =	ssyncadd.s32 $0xFFFFD800  }
0x55: {  	[spmem:s3] =	stream.indirect.scatter.add.f32 [tilespmem:s2], [sflag:$0x2], $0x80, s30, s31, $0xb8;
	[tilespmem:$0x161C0] =	vst v63  }
0x56: {  	_ =	swait.ge [sflag:s28], $0x2800  }
0x57: {  	s12 =	smov.u32 s6;
	[sflag:s28] =	ssyncset.done $0x0  }
0x58: {  	s5 =	sadd.s32 s22, s25;
	[sflag:s28] =	ssyncadd.s32 $0xFFFFD800  }
0x59: {  	[tilespmem:s29], [sflag:$0x2] =	stream.linear.gather [hbm4b:s5+s4], $0x50, $0x38;
	[tilespmem:$0x161C0] =	vst v63  }
0x5a: {  	_ =	swait.ge [sflag:s28], $0x50  }
0x5b: {  	[sflag:s28] =	ssyncset.done $0x0  }
0x5c: {  	s23 =	sadd.s32 s22, s24;
	[sflag:s28] =	ssyncadd.s32 $0xFFFFFFB0  }
0x5d: {  	[tilespmem:s30], [sflag:$0x2] =	stream.linear.gather [hbm4b:s23+s4], $0x50, $0x38;
	[tilespmem:$0x161C0] =	vst v63  }
0x5e: {  	_ =	swait.ge [sflag:s28], $0x50  }
0x5f: {  	[sflag:s28] =	ssyncset.done $0x0  }
0x60: {  	[sflag:s28] =	ssyncadd.s32 $0xFFFFFFB0  }
0x61: {  	[tilespmem:s2], [sflag:$0x1] =	stream.indirect.gather [hbm4b:s1+s31], $0x80, s29, s31, $0xb8;
	[tilespmem:$0x161C0] =	vst v63  }
0x62: {  	_ =	swait.ge [sflag:s0], $0x2800  }
0x63: {  	[sflag:s0] =	ssyncset.done $0x0  }
0x64: {  	[sflag:s0] =	ssyncadd.s32 $0xFFFFD800  }
0x65: {  	[spmem:s3] =	stream.indirect.scatter.add.f32 [tilespmem:s2], [sflag:$0x2], $0x80, s30, s31, $0xb8;
	[tilespmem:$0x161C0] =	vst v63  }
.Ltmp3:
0x66: {  	_ =	swait.ge [sflag:s28], $0x2800;
	(pc) =	sbr.rel @!p0 .LBB2_5-.Ltmp3, $3  }
0x67: {  	[sflag:s28] =	ssyncset.done $0x0  }
0x68: {  	[sflag:s28] =	ssyncadd.s32 $0xFFFFD800  }
0x69: {  	[bflag:$0x0] =	sbarrier.arrive $0xFFFF;
	_ =	sdelay $0x1  }
0x6a: {  	s5 =	rddreg [dreg:$0xa]  }
0x6b: {  	[hbm:s5], [sflag:s26] =	dma.local [spmem:s21], $0xC80  }
0x6c: {  	s21 =	simm.s32 $0x2  }
0x6d: {  	_ =	swait.ge [sflag:s21], $0xC80  }
0x6e: {  	[sflag:s21] =	ssyncset.done $0x0  }
0x6f: {  	s22 =	rddreg [dreg:$0xb];
	[sflag:s21] =	ssyncadd.s32 $0xFFFFF380  }
0x70: {  	[hbm:s22], [sflag:s26] =	dma.local [spmem:s20], $0xC80  }
0x71: {  	_ =	swait.ge [sflag:s21], $0xC80  }
0x72: {  	[sflag:s21] =	ssyncset.done $0x0  }
0x73: {  	s23 =	rddreg [dreg:$0xc];
	[sflag:s21] =	ssyncadd.s32 $0xFFFFF380  }
0x74: {  	[hbm:s23], [sflag:s26] =	dma.local [spmem:s19], $0xC80  }
.Ltmp4:
0x75: {  	_ = 	snop;
	(pc) =	sbr.rel @p2 .LBB2_6-.Ltmp4, $4  }
.Ltmp5:
0x76: {  	_ = 	snop;
	(pc) =	sbr.rel @!p2 .LBB2_7-.Ltmp5, $4  }
0x77: {  	_ =	swait.ge [sflag:s21], $0xC80  }
0x78: {  	[sflag:s21] =	ssyncset.done $0x0  }
0x79: {  	s12 =	rddreg [dreg:$0x5];
	[sflag:s21] =	ssyncadd.s32 $0xFFFFF380  }
0x7a: {  	_ = 	snop  }
.LBB2_5:
0x7b: {  	s5 =	sor.u32 $0x1C03, s10;
	s6 =	rddreg [dreg:$0x7]  }
0x7c: {  	[hbm:s6], [sflag:s5] =	dma.local [spmem:s21], $0xC80  }
0x7d: {  	s21 =	simm.s32 $0x3  }
0x7e: {  	_ =	swait.ge [sflag:s21], $0xC80  }
0x7f: {  	[sflag:s21] =	ssyncset.done $0x0  }
0x80: {  	s22 =	rddreg [dreg:$0x8];
	[sflag:s21] =	ssyncadd.s32 $0xFFFFF380  }
0x81: {  	[hbm:s22], [sflag:s5] =	dma.local [spmem:s20], $0xC80  }
0x82: {  	_ =	swait.ge [sflag:s21], $0xC80  }
0x83: {  	[sflag:s21] =	ssyncset.done $0x0  }
0x84: {  	s23 =	rddreg [dreg:$0x9];
	[sflag:s21] =	ssyncadd.s32 $0xFFFFF380  }
0x85: {  	[hbm:s23], [sflag:s5] =	dma.local [spmem:s19], $0xC80  }
.Ltmp6:
0x86: {  	_ = 	snop;
	(pc) =	sbr.rel @p1 .LBB2_7-.Ltmp6, $4  }
.Ltmp7:
0x87: {  	_ = 	snop;
	(pc) =	sbr.rel @!p1 .LBB2_6-.Ltmp7, $4  }
0x88: {  	_ =	swait.ge [sflag:s21], $0xC80  }
0x89: {  	[sflag:s21] =	ssyncset.done $0x0  }
0x8a: {  	s12 =	rddreg [dreg:$0x4];
	[sflag:s21] =	ssyncadd.s32 $0xFFFFF380  }
0x8b: {  	_ = 	snop  }
.LBB2_8:
0x8c: {  	_ =	sfence.sel $0x180000  }
0x8d: {  	[bflag:$0x0] =	sbarrier.arrive $0xFFFF  }
0x8e: {  	_ =	strace $0x90000047  }
0x8f: {  	s0 =	stileid.u32;
	[bflag:$0x2] =	sbarrier.arrive $0xFFFF  }
0x90: {  	p0 =	sne.s32 s0, $0x0;
	s0 =	rddreg [dreg:$0x3]  }
0x91: {  	s0 =	sadd.s32 @!p0 $0x100000, s0  }
0x92: {  	[sflag:s0] =	ssyncadd.tile.s32 @!p0 $0x1;
	_ =	shalt  }
.Lfunc_end2:
_tile_overlayer_lowered:
.L_overlay_start_2:
0x93: {  	(tag) =	ssettag $0x2  }
0x94: {  	s0 =	rddreg [dreg:$0x0];
	s2 =	stileid.u32  }
0x95: {  	s1 =	rddreg [dreg:$0x1];
	p0 =	sne.s32 s2, $0x0  }
0x96: {  	s3 =	rddreg [dreg:$0x2];
	[bflag:$0x3] =	sbarrier.arrive $0xFFFF;
	s2 =	simm.s32 @!p0 $0x1C02  }
0x97: {  	[timem:s3], [sflag:s2] =	dma.local @!p0 [hbm:s0], s1  }
0x98: {  	s0 =	simm.s32 @!p0 $0x2  }
0x99: {  	_ =	swait.ge @!p0 [sflag:s0], s1  }
0x9a: {  	s1 =	ssub.s32 @!p0 $0x0, s1;
	[sflag:s0] =	ssyncset.done @!p0 $0x0  }
0x9b: {  	[sflag:s0] =	ssyncadd.s32 @!p0 s1  }
0x9c: {  	[bflag:$0x3] =	sbarrier.arrive $0xFFFF  }
0x9d: {  	_ =	shalt  }

</sc_bundles>
